<compile_context>
chip_gen: v7x
topology: tpu7x:2x2x1
jax: 0.10.2.dev20260603
libtpu: 0.0.44.dev20260713+nightly
codegen_flags: <defaults>
</compile_context>

<pallas_src>
import jax
import jax.numpy as jnp
from jax import lax
from jax.experimental import pallas as pl
from jax.experimental.pallas import tpu as pltpu
from jax.experimental.pallas import tpu_sc as plsc

N_CLAUSES = 10000
N_VARS = 10000
E = 320000
D = 128

NC = 2
NS = 16
NW = NC * NS
EPW = E // NW
K = 80
NCHUNK = EPW // K
NV_PAD = 10240
RPT = NV_PAD // NS


NBUF = 2
NGROUP = NCHUNK // NBUF


def _seg_sum_sc(src1, dst3, xc, zeros, out, srcidx_v, dstidx_v,
                r0, r1, acc_sh, s0, s1):
    cid = lax.axis_index("c")
    sid = lax.axis_index("s")
    wid = sid * NC + cid
    rows = (r0, r1)
    sems = (s0, s1)

    pltpu.sync_copy(src1.at[pl.ds(wid * EPW, EPW)], srcidx_v)
    pltpu.sync_copy(dst3.at[wid], dstidx_v)

    for b in range(NBUF):
        pltpu.async_copy(xc.at[srcidx_v.at[pl.ds(b * K, K)]], rows[b],
                         sems[b])
    pltpu.sync_copy(zeros, acc_sh.at[pl.ds(sid * RPT, RPT)])
    plsc.subcore_barrier()

    def group(g, issue_next):
        for b in range(NBUF):
            j = g * NBUF + b
            pltpu.make_async_copy(xc.at[srcidx_v.at[pl.ds(j * K, K)]],
                                  rows[b], sems[b]).wait()
            pltpu.sync_copy(rows[b], acc_sh.at[dstidx_v.at[j]], add=True)
            if issue_next:
                pltpu.async_copy(
                    xc.at[srcidx_v.at[pl.ds((j + NBUF) * K, K)]],
                    rows[b], sems[b])

    def body(i, carry):
        group(2 * i, True)
        group(2 * i + 1, True)
        return carry

    lax.fori_loop(0, (NGROUP - 2) // 2, body, 0)
    group(NGROUP - 2, True)
    group(NGROUP - 1, False)

    for j in range(NGROUP * NBUF, NCHUNK):
        pltpu.async_copy(xc.at[srcidx_v.at[pl.ds(j * K, K)]], rows[0],
                         sems[0]).wait()
        pltpu.sync_copy(rows[0], acc_sh.at[dstidx_v.at[j]], add=True)

    plsc.subcore_barrier()
    pltpu.sync_copy(acc_sh.at[pl.ds(sid * RPT, RPT)],
                    out.at[cid, pl.ds(sid * RPT, RPT)])


def _segment_sum(src1, dst3, xc, zeros):
    mesh = plsc.VectorSubcoreMesh(core_axis_name="c", subcore_axis_name="s")
    f = pl.kernel(
        _seg_sum_sc,
        out_type=jax.ShapeDtypeStruct((2, NV_PAD, D), jnp.float32),
        mesh=mesh,
        scratch_types=[
            pltpu.VMEM((EPW,), jnp.int32),
            pltpu.VMEM((NCHUNK, K), jnp.int32),
        ] + [pltpu.VMEM((K, D), jnp.float32) for _ in range(NBUF)] + [
            pltpu.VMEM_SHARED((NV_PAD, D), jnp.float32),
        ] + [pltpu.SemaphoreType.DMA for _ in range(NBUF)],
    )
    return f(src1, dst3, xc, zeros)


BLK = 2000
NBLK = N_VARS // BLK


def _lstm_tc(ma_ref, mb_ref, h_ref, c_ref, wih_ref, whh_ref, b_ref,
             ho_ref, co_ref):
    msg = ma_ref[0] + mb_ref[0]
    gates = (jnp.dot(msg, wih_ref[...], preferred_element_type=jnp.float32)
             + jnp.dot(h_ref[...], whh_ref[...],
                       preferred_element_type=jnp.float32)
             + b_ref[...])
    ii = jax.nn.sigmoid(gates[:, 0:D])
    ff = jax.nn.sigmoid(gates[:, D:2 * D])
    gg = jnp.tanh(gates[:, 2 * D:3 * D])
    oo = jax.nn.sigmoid(gates[:, 3 * D:4 * D])
    c_new = ff * c_ref[...] + ii * gg
    ho_ref[...] = oo * jnp.tanh(c_new)
    co_ref[...] = c_new


def _lstm(msg2, h, c, wih_t, whh_t, b2):
    row_spec = pl.BlockSpec((BLK, D), lambda i: (i, 0))
    return pl.pallas_call(
        _lstm_tc,
        grid=(NBLK,),
        in_specs=[
            pl.BlockSpec((1, BLK, D), lambda i: (0, i, 0)),
            pl.BlockSpec((1, BLK, D), lambda i: (1, i, 0)),
            row_spec,
            row_spec,
            pl.BlockSpec((D, 4 * D), lambda i: (0, 0)),
            pl.BlockSpec((D, 4 * D), lambda i: (0, 0)),
            pl.BlockSpec((1, 4 * D), lambda i: (0, 0)),
        ],
        out_specs=[row_spec, row_spec],
        out_shape=[
            jax.ShapeDtypeStruct((N_VARS, D), jnp.float32),
            jax.ShapeDtypeStruct((N_VARS, D), jnp.float32),
        ],
    )(msg2, msg2, h, c, wih_t, whh_t, b2)


def kernel(edge_index, x_c, h, c, v_batch, W_ih, W_hh, b_ih, b_hh):
    src1 = edge_index[0]
    dst3 = edge_index[1].reshape(NW, NCHUNK, K)
    zeros = jnp.zeros((RPT, D), jnp.float32)
    msg2 = _segment_sum(src1, dst3, x_c, zeros)
    wih_t = W_ih.T
    whh_t = W_hh.T
    b2 = (b_ih + b_hh).reshape(1, 4 * D)
    h_new, c_new = _lstm(msg2, h, c, wih_t, whh_t, b2)
    return (h_new, c_new)

# --- scband reference (transcript-rebuilt; emitter-appended) ---
"""Pipeline reference for scband-clause-to-var-layer-13597866459550 (READ-ONLY COPY).

The authoritative reference and input builder live on the scoring server;
editing this copy changes nothing except your own understanding.
"""

import jax, jax.numpy as jnp
import numpy as np

N_CLAUSES = 10000
N_VARS = 10000
E = 320000
D = 128

def setup_inputs(seed: int = 0) -> dict:
    key = jax.random.key(seed)
    ks = jax.random.split(key, 9)
    edge_index = jax.random.randint(ks[0], (2, E), 0, N_VARS, dtype=jnp.int32)
    x_c = jax.random.normal(ks[1], (N_CLAUSES, D), dtype=jnp.float32)
    h = jax.random.normal(ks[2], (N_VARS, D), dtype=jnp.float32)
    c = jax.random.normal(ks[3], (N_VARS, D), dtype=jnp.float32)
    v_batch = jnp.zeros((N_VARS,), dtype=jnp.int32)
    # LSTM parameters (PyTorch layout: W_ih [4D, D], W_hh [4D, D], biases [4D]; gate order i,f,g,o)
    s = 1.0 / np.sqrt(D)
    W_ih = jax.random.uniform(ks[4], (4 * D, D), minval=-s, maxval=s, dtype=jnp.float32)
    W_hh = jax.random.uniform(ks[5], (4 * D, D), minval=-s, maxval=s, dtype=jnp.float32)
    b_ih = jax.random.uniform(ks[6], (4 * D,), minval=-s, maxval=s, dtype=jnp.float32)
    b_hh = jax.random.uniform(ks[7], (4 * D,), minval=-s, maxval=s, dtype=jnp.float32)
    return {"edge_index": edge_index, "x_c": x_c, "h": h, "c": c, "v_batch": v_batch,
            "W_ih": W_ih, "W_hh": W_hh, "b_ih": b_ih, "b_hh": b_hh}

def reference(edge_index, x_c, h, c, v_batch, W_ih, W_hh, b_ih, b_hh):
    # msg = adj_t.t() @ x_c : for each edge (clause, var), msg[var] += x_c[clause]
    src = edge_index[0]  # clause indices
    dst = edge_index[1]  # variable indices
    msg = jax.ops.segment_sum(x_c[src], dst, num_segments=N_VARS)
    # single-step LSTM over the "batch" of variable nodes (seq_len = 1)
    gates = msg @ W_ih.T + b_ih + h @ W_hh.T + b_hh
    i, f, g, o = jnp.split(gates, 4, axis=-1)
    i = jax.nn.sigmoid(i)
    f = jax.nn.sigmoid(f)
    g = jnp.tanh(g)
    o = jax.nn.sigmoid(o)
    c_new = f * c + i * g
    h_new = o * jnp.tanh(c_new)
    # module returns new_hidden = [h_new, c_new]
    return (h_new, c_new)

if __name__ == "__main__":
    import jax
    _d = setup_inputs()
    print(jax.jit(kernel)(*tuple(_d.values())))

</pallas_src>

<mosaic_0001>
#map = affine_map<(d0, d1) -> (0)>
#map1 = affine_map<(d0, d1) -> (0, 0, 0)>
#map2 = affine_map<(d0, d1) -> (0, 0)>
module attributes {stable_mosaic.version = 14 : i64} {
  func.func @_seg_sum_sc(%arg0: i32, %arg1: i32, %arg2: memref<320000xi32, #tpu.memory_space<hbm>>, %arg3: memref<32x125x80xi32, #tpu.memory_space<hbm>>, %arg4: memref<10000x128xf32, #tpu.memory_space<hbm>>, %arg5: memref<640x128xf32, #tpu.memory_space<hbm>>, %arg6: memref<2x10240x128xf32, #tpu.memory_space<hbm>>, %arg7: memref<10000xi32, #tpu.memory_space<vmem>>, %arg8: memref<125x80xi32, #tpu.memory_space<vmem>>, %arg9: memref<80x128xf32, #tpu.memory_space<vmem>>, %arg10: memref<80x128xf32, #tpu.memory_space<vmem>>, %arg11: memref<10240x128xf32, #tpu.memory_space<vmem_shared>>, %arg12: memref<!tpu.dma_semaphore, #tpu.memory_space<semaphore_mem>>, %arg13: memref<!tpu.dma_semaphore, #tpu.memory_space<semaphore_mem>>) attributes {dimension_semantics = [#tpu.dimension_semantics<core_parallel>, #tpu.dimension_semantics<subcore_parallel>], iteration_bounds = array<i64: 2, 16>, scalar_prefetch = 0 : i64, scratch_operands = 7 : i64, tpu.core_type = #tpu.core_type<sc_vector_subcore>, window_params = [{transform_indices = #map}, {transform_indices = #map1}, {transform_indices = #map2}, {transform_indices = #map2}, {transform_indices = #map1}]} {
    %mul3A = arith.constant 2 : i32
    %mul3A_0 = arith.muli %arg1, %mul3A : i32
    %add3A = arith.addi %mul3A_0, %arg0 : i32
    %mul3A_1 = arith.constant 10000 : i32
    %mul3A_2 = arith.muli %add3A, %mul3A_1 : i32
    "tpu.region"() ({
      %run_scoped3A_67 = tpu.sem_alloc : memref<!tpu.dma_semaphore, #tpu.memory_space<semaphore_mem>>
      %dma_start3A_68 = tpu.memref_slice %arg2[%mul3A_2] : memref<320000xi32, #tpu.memory_space<hbm>> -> memref<10000xi32, #tpu.memory_space<hbm>>
      %dma_start3A_69 = tpu.memref_slice %arg2[%mul3A_2] : memref<320000xi32, #tpu.memory_space<hbm>> -> memref<10000xi32, #tpu.memory_space<hbm>>
      tpu.enqueue_dma source(%dma_start3A_69 : memref<10000xi32, #tpu.memory_space<hbm>>) target(%arg7 : memref<10000xi32, #tpu.memory_space<vmem>>) target_semaphore(%run_scoped3A_67 : memref<!tpu.dma_semaphore, #tpu.memory_space<semaphore_mem>>)
      %dma_wait3A_70 = tpu.memref_slice %arg2[%mul3A_2] : memref<320000xi32, #tpu.memory_space<hbm>> -> memref<10000xi32, #tpu.memory_space<hbm>>
      %dma_wait3A_71 = tpu.memref_slice %arg2[%mul3A_2] : memref<320000xi32, #tpu.memory_space<hbm>> -> memref<10000xi32, #tpu.memory_space<hbm>>
      tpu.wait_dma2 semaphore(%run_scoped3A_67 : memref<!tpu.dma_semaphore, #tpu.memory_space<semaphore_mem>>) src(%dma_wait3A_71 : memref<10000xi32, #tpu.memory_space<hbm>>) dst(%arg7 : memref<10000xi32, #tpu.memory_space<vmem>>)
      tpu.yield
    }) : () -> ()
    "tpu.region"() ({
      %run_scoped3A_67 = tpu.sem_alloc : memref<!tpu.dma_semaphore, #tpu.memory_space<semaphore_mem>>
      %dma_start3A_68 = arith.constant 0 : i32
      %dma_start3A_69 = arith.constant 0 : i32
      %dma_start3A_70 = tpu.memref_slice %arg3[%add3A, %dma_start3A_68, %dma_start3A_69] : memref<32x125x80xi32, #tpu.memory_space<hbm>> -> memref<1x125x80xi32, #tpu.memory_space<hbm>>
      %dma_start3A_71 = tpu.memref_squeeze %dma_start3A_70 : memref<1x125x80xi32, #tpu.memory_space<hbm>> -> memref<125x80xi32, #tpu.memory_space<hbm>>
      %dma_start3A_72 = arith.constant 0 : i32
      %dma_start3A_73 = arith.constant 0 : i32
      %dma_start3A_74 = tpu.memref_slice %arg3[%add3A, %dma_start3A_72, %dma_start3A_73] : memref<32x125x80xi32, #tpu.memory_space<hbm>> -> memref<1x125x80xi32, #tpu.memory_space<hbm>>
      %dma_start3A_75 = tpu.memref_squeeze %dma_start3A_74 : memref<1x125x80xi32, #tpu.memory_space<hbm>> -> memref<125x80xi32, #tpu.memory_space<hbm>>
      tpu.enqueue_dma source(%dma_start3A_75 : memref<125x80xi32, #tpu.memory_space<hbm>>) target(%arg8 : memref<125x80xi32, #tpu.memory_space<vmem>>) target_semaphore(%run_scoped3A_67 : memref<!tpu.dma_semaphore, #tpu.memory_space<semaphore_mem>>)
      %dma_wait3A_76 = arith.constant 0 : i32
      %dma_wait3A_77 = arith.constant 0 : i32
      %dma_wait3A_78 = tpu.memref_slice %arg3[%add3A, %dma_wait3A_76, %dma_wait3A_77] : memref<32x125x80xi32, #tpu.memory_space<hbm>> -> memref<1x125x80xi32, #tpu.memory_space<hbm>>
      %dma_wait3A_79 = tpu.memref_squeeze %dma_wait3A_78 : memref<1x125x80xi32, #tpu.memory_space<hbm>> -> memref<125x80xi32, #tpu.memory_space<hbm>>
      %dma_wait3A_80 = arith.constant 0 : i32
      %dma_wait3A_81 = arith.constant 0 : i32
      %dma_wait3A_82 = tpu.memref_slice %arg3[%add3A, %dma_wait3A_80, %dma_wait3A_81] : memref<32x125x80xi32, #tpu.memory_space<hbm>> -> memref<1x125x80xi32, #tpu.memory_space<hbm>>
      %dma_wait3A_83 = tpu.memref_squeeze %dma_wait3A_82 : memref<1x125x80xi32, #tpu.memory_space<hbm>> -> memref<125x80xi32, #tpu.memory_space<hbm>>
      tpu.wait_dma2 semaphore(%run_scoped3A_67 : memref<!tpu.dma_semaphore, #tpu.memory_space<semaphore_mem>>) src(%dma_wait3A_83 : memref<125x80xi32, #tpu.memory_space<hbm>>) dst(%arg8 : memref<125x80xi32, #tpu.memory_space<vmem>>)
      tpu.yield
    }) : () -> ()
    %dma_start3A = arith.constant 0 : i32
    %dma_start3A_3 = tpu.memref_slice %arg7[%dma_start3A] : memref<10000xi32, #tpu.memory_space<vmem>> -> memref<80xi32, #tpu.memory_space<vmem>>
    %dma_start3A_4 = arith.constant 0 : i32
    %dma_start3A_5 = arith.constant 0 : i32
    %dma_start3A_6 = tpu.memref_slice %arg4[%dma_start3A_4, %dma_start3A_5] : memref<10000x128xf32, #tpu.memory_space<hbm>> -> memref<10000x128xf32, #tpu.memory_space<hbm>>
    tpu.enqueue_indirect_dma source(%dma_start3A_6 : memref<10000x128xf32, #tpu.memory_space<hbm>>) target(%arg9 : memref<80x128xf32, #tpu.memory_space<vmem>>) offsets(%dma_start3A_3 : memref<80xi32, #tpu.memory_space<vmem>>) semaphore(%arg12 : memref<!tpu.dma_semaphore, #tpu.memory_space<semaphore_mem>>)
    %dma_start3A_7 = arith.constant 80 : i32
    %dma_start3A_8 = tpu.memref_slice %arg7[%dma_start3A_7] : memref<10000xi32, #tpu.memory_space<vmem>> -> memref<80xi32, #tpu.memory_space<vmem>>
    %dma_start3A_9 = arith.constant 0 : i32
    %dma_start3A_10 = arith.constant 0 : i32
    %dma_start3A_11 = tpu.memref_slice %arg4[%dma_start3A_9, %dma_start3A_10] : memref<10000x128xf32, #tpu.memory_space<hbm>> -> memref<10000x128xf32, #tpu.memory_space<hbm>>
    tpu.enqueue_indirect_dma source(%dma_start3A_11 : memref<10000x128xf32, #tpu.memory_space<hbm>>) target(%arg10 : memref<80x128xf32, #tpu.memory_space<vmem>>) offsets(%dma_start3A_8 : memref<80xi32, #tpu.memory_space<vmem>>) semaphore(%arg13 : memref<!tpu.dma_semaphore, #tpu.memory_space<semaphore_mem>>)
    %mul3A_12 = arith.constant 640 : i32
    %mul3A_13 = arith.muli %arg1, %mul3A_12 : i32
    "tpu.region"() ({
      %run_scoped3A_67 = tpu.sem_alloc : memref<!tpu.dma_semaphore, #tpu.memory_space<semaphore_mem>>
      %dma_start3A_68 = arith.constant 0 : i32
      %dma_start3A_69 = tpu.memref_slice %arg11[%mul3A_13, %dma_start3A_68] : memref<10240x128xf32, #tpu.memory_space<vmem_shared>> -> memref<640x128xf32, #tpu.memory_space<vmem_shared>>
      tpu.enqueue_dma source(%arg5 : memref<640x128xf32, #tpu.memory_space<hbm>>) target(%dma_start3A_69 : memref<640x128xf32, #tpu.memory_space<vmem_shared>>) target_semaphore(%run_scoped3A_67 : memref<!tpu.dma_semaphore, #tpu.memory_space<semaphore_mem>>)
      %dma_wait3A_70 = arith.constant 0 : i32
      %dma_wait3A_71 = tpu.memref_slice %arg11[%mul3A_13, %dma_wait3A_70] : memref<10240x128xf32, #tpu.memory_space<vmem_shared>> -> memref<640x128xf32, #tpu.memory_space<vmem_shared>>
      tpu.wait_dma2 semaphore(%run_scoped3A_67 : memref<!tpu.dma_semaphore, #tpu.memory_space<semaphore_mem>>) src(%arg5 : memref<640x128xf32, #tpu.memory_space<hbm>>) dst(%dma_wait3A_71 : memref<640x128xf32, #tpu.memory_space<vmem_shared>>)
      tpu.yield
    }) : () -> ()
    %barrier3A = arith.constant 0 : index
    tpu.barrier barrier_id(%barrier3A)
    %scan3A = arith.constant 0 : i32
    %scan3A_14 = arith.constant 0 : i32
    %scan3A_15 = arith.constant 30 : i32
    %scan3A_16 = arith.addi %scan3A_14, %scan3A_15 : i32
    %scan3A_17 = arith.constant 1 : i32
    scf.for %scan3A_67 = %scan3A_14 to %scan3A_16 step %scan3A_17  : i32 {
      %mul3A_68 = arith.constant 2 : i32
      %mul3A_69 = arith.muli %mul3A_68, %scan3A_67 : i32
      %mul3A_70 = arith.constant 2 : i32
      %mul3A_71 = arith.muli %mul3A_69, %mul3A_70 : i32
      %add3A_72 = arith.constant 0 : i32
      %add3A_73 = arith.addi %mul3A_71, %add3A_72 : i32
      %mul3A_74 = arith.constant 80 : i32
      %mul3A_75 = arith.muli %add3A_73, %mul3A_74 : i32
      %dma_wait3A_76 = tpu.memref_slice %arg7[%mul3A_75] : memref<10000xi32, #tpu.memory_space<vmem>> -> memref<80xi32, #tpu.memory_space<vmem>>
      %dma_wait3A_77 = arith.constant 0 : i32
      %dma_wait3A_78 = arith.constant 0 : i32
      %dma_wait3A_79 = tpu.memref_slice %arg4[%dma_wait3A_77, %dma_wait3A_78] : memref<10000x128xf32, #tpu.memory_space<hbm>> -> memref<10000x128xf32, #tpu.memory_space<hbm>>
      tpu.wait_indirect_dma semaphore(%arg12 : memref<!tpu.dma_semaphore, #tpu.memory_space<semaphore_mem>>) src(%dma_wait3A_79 : memref<10000x128xf32, #tpu.memory_space<hbm>>) dst(%arg9 : memref<80x128xf32, #tpu.memory_space<vmem>>)
      "tpu.region"() ({
        %run_scoped3A_146 = tpu.sem_alloc : memref<!tpu.dma_semaphore, #tpu.memory_space<semaphore_mem>>
        %dma_start3A_147 = arith.constant 0 : i32
        %dma_start3A_148 = tpu.memref_slice %arg8[%add3A_73, %dma_start3A_147] : memref<125x80xi32, #tpu.memory_space<vmem>> -> memref<1x80xi32, #tpu.memory_space<vmem>>
        %dma_start3A_149 = tpu.memref_squeeze %dma_start3A_148 : memref<1x80xi32, #tpu.memory_space<vmem>> -> memref<80xi32, #tpu.memory_space<vmem>>
        %dma_start3A_150 = arith.constant 0 : i32
        %dma_start3A_151 = arith.constant 0 : i32
        %dma_start3A_152 = tpu.memref_slice %arg11[%dma_start3A_150, %dma_start3A_151] : memref<10240x128xf32, #tpu.memory_space<vmem_shared>> -> memref<10240x128xf32, #tpu.memory_space<vmem_shared>>
        tpu.enqueue_indirect_dma source(%arg9 : memref<80x128xf32, #tpu.memory_space<vmem>>) target(%dma_start3A_152 : memref<10240x128xf32, #tpu.memory_space<vmem_shared>>) offsets(%dma_start3A_149 : memref<80xi32, #tpu.memory_space<vmem>>) semaphore(%run_scoped3A_146 : memref<!tpu.dma_semaphore, #tpu.memory_space<semaphore_mem>>) {add = true}
        %dma_wait3A_153 = arith.constant 0 : i32
        %dma_wait3A_154 = tpu.memref_slice %arg8[%add3A_73, %dma_wait3A_153] : memref<125x80xi32, #tpu.memory_space<vmem>> -> memref<1x80xi32, #tpu.memory_space<vmem>>
        %dma_wait3A_155 = tpu.memref_squeeze %dma_wait3A_154 : memref<1x80xi32, #tpu.memory_space<vmem>> -> memref<80xi32, #tpu.memory_space<vmem>>
        %dma_wait3A_156 = arith.constant 0 : i32
        %dma_wait3A_157 = arith.constant 0 : i32
        %dma_wait3A_158 = tpu.memref_slice %arg11[%dma_wait3A_156, %dma_wait3A_157] : memref<10240x128xf32, #tpu.memory_space<vmem_shared>> -> memref<10240x128xf32, #tpu.memory_space<vmem_shared>>
        tpu.wait_indirect_dma semaphore(%run_scoped3A_146 : memref<!tpu.dma_semaphore, #tpu.memory_space<semaphore_mem>>) src(%arg9 : memref<80x128xf32, #tpu.memory_space<vmem>>) dst(%dma_wait3A_158 : memref<10240x128xf32, #tpu.memory_space<vmem_shared>>)
        tpu.yield
      }) : () -> ()
      %add3A_80 = arith.constant 2 : i32
      %add3A_81 = arith.addi %add3A_73, %add3A_80 : i32
      %mul3A_82 = arith.constant 80 : i32
      %mul3A_83 = arith.muli %add3A_81, %mul3A_82 : i32
      %dma_start3A_84 = tpu.memref_slice %arg7[%mul3A_83] : memref<10000xi32, #tpu.memory_space<vmem>> -> memref<80xi32, #tpu.memory_space<vmem>>
      %dma_start3A_85 = arith.constant 0 : i32
      %dma_start3A_86 = arith.constant 0 : i32
      %dma_start3A_87 = tpu.memref_slice %arg4[%dma_start3A_85, %dma_start3A_86] : memref<10000x128xf32, #tpu.memory_space<hbm>> -> memref<10000x128xf32, #tpu.memory_space<hbm>>
      tpu.enqueue_indirect_dma source(%dma_start3A_87 : memref<10000x128xf32, #tpu.memory_space<hbm>>) target(%arg9 : memref<80x128xf32, #tpu.memory_space<vmem>>) offsets(%dma_start3A_84 : memref<80xi32, #tpu.memory_space<vmem>>) semaphore(%arg12 : memref<!tpu.dma_semaphore, #tpu.memory_space<semaphore_mem>>)
      %mul3A_88 = arith.constant 2 : i32
      %mul3A_89 = arith.muli %mul3A_69, %mul3A_88 : i32
      %add3A_90 = arith.constant 1 : i32
      %add3A_91 = arith.addi %mul3A_89, %add3A_90 : i32
      %mul3A_92 = arith.constant 80 : i32
      %mul3A_93 = arith.muli %add3A_91, %mul3A_92 : i32
      %dma_wait3A_94 = tpu.memref_slice %arg7[%mul3A_93] : memref<10000xi32, #tpu.memory_space<vmem>> -> memref<80xi32, #tpu.memory_space<vmem>>
      %dma_wait3A_95 = arith.constant 0 : i32
      %dma_wait3A_96 = arith.constant 0 : i32
      %dma_wait3A_97 = tpu.memref_slice %arg4[%dma_wait3A_95, %dma_wait3A_96] : memref<10000x128xf32, #tpu.memory_space<hbm>> -> memref<10000x128xf32, #tpu.memory_space<hbm>>
      tpu.wait_indirect_dma semaphore(%arg13 : memref<!tpu.dma_semaphore, #tpu.memory_space<semaphore_mem>>) src(%dma_wait3A_97 : memref<10000x128xf32, #tpu.memory_space<hbm>>) dst(%arg10 : memref<80x128xf32, #tpu.memory_space<vmem>>)
      "tpu.region"() ({
        %run_scoped3A_146 = tpu.sem_alloc : memref<!tpu.dma_semaphore, #tpu.memory_space<semaphore_mem>>
        %dma_start3A_147 = arith.constant 0 : i32
        %dma_start3A_148 = tpu.memref_slice %arg8[%add3A_91, %dma_start3A_147] : memref<125x80xi32, #tpu.memory_space<vmem>> -> memref<1x80xi32, #tpu.memory_space<vmem>>
        %dma_start3A_149 = tpu.memref_squeeze %dma_start3A_148 : memref<1x80xi32, #tpu.memory_space<vmem>> -> memref<80xi32, #tpu.memory_space<vmem>>
        %dma_start3A_150 = arith.constant 0 : i32
        %dma_start3A_151 = arith.constant 0 : i32
        %dma_start3A_152 = tpu.memref_slice %arg11[%dma_start3A_150, %dma_start3A_151] : memref<10240x128xf32, #tpu.memory_space<vmem_shared>> -> memref<10240x128xf32, #tpu.memory_space<vmem_shared>>
        tpu.enqueue_indirect_dma source(%arg10 : memref<80x128xf32, #tpu.memory_space<vmem>>) target(%dma_start3A_152 : memref<10240x128xf32, #tpu.memory_space<vmem_shared>>) offsets(%dma_start3A_149 : memref<80xi32, #tpu.memory_space<vmem>>) semaphore(%run_scoped3A_146 : memref<!tpu.dma_semaphore, #tpu.memory_space<semaphore_mem>>) {add = true}
        %dma_wait3A_153 = arith.constant 0 : i32
        %dma_wait3A_154 = tpu.memref_slice %arg8[%add3A_91, %dma_wait3A_153] : memref<125x80xi32, #tpu.memory_space<vmem>> -> memref<1x80xi32, #tpu.memory_space<vmem>>
        %dma_wait3A_155 = tpu.memref_squeeze %dma_wait3A_154 : memref<1x80xi32, #tpu.memory_space<vmem>> -> memref<80xi32, #tpu.memory_space<vmem>>
        %dma_wait3A_156 = arith.constant 0 : i32
        %dma_wait3A_157 = arith.constant 0 : i32
        %dma_wait3A_158 = tpu.memref_slice %arg11[%dma_wait3A_156, %dma_wait3A_157] : memref<10240x128xf32, #tpu.memory_space<vmem_shared>> -> memref<10240x128xf32, #tpu.memory_space<vmem_shared>>
        tpu.wait_indirect_dma semaphore(%run_scoped3A_146 : memref<!tpu.dma_semaphore, #tpu.memory_space<semaphore_mem>>) src(%arg10 : memref<80x128xf32, #tpu.memory_space<vmem>>) dst(%dma_wait3A_158 : memref<10240x128xf32, #tpu.memory_space<vmem_shared>>)
        tpu.yield
      }) : () -> ()
      %add3A_98 = arith.constant 2 : i32
      %add3A_99 = arith.addi %add3A_91, %add3A_98 : i32
      %mul3A_100 = arith.constant 80 : i32
      %mul3A_101 = arith.muli %add3A_99, %mul3A_100 : i32
      %dma_start3A_102 = tpu.memref_slice %arg7[%mul3A_101] : memref<10000xi32, #tpu.memory_space<vmem>> -> memref<80xi32, #tpu.memory_space<vmem>>
      %dma_start3A_103 = arith.constant 0 : i32
      %dma_start3A_104 = arith.constant 0 : i32
      %dma_start3A_105 = tpu.memref_slice %arg4[%dma_start3A_103, %dma_start3A_104] : memref<10000x128xf32, #tpu.memory_space<hbm>> -> memref<10000x128xf32, #tpu.memory_space<hbm>>
      tpu.enqueue_indirect_dma source(%dma_start3A_105 : memref<10000x128xf32, #tpu.memory_space<hbm>>) target(%arg10 : memref<80x128xf32, #tpu.memory_space<vmem>>) offsets(%dma_start3A_102 : memref<80xi32, #tpu.memory_space<vmem>>) semaphore(%arg13 : memref<!tpu.dma_semaphore, #tpu.memory_space<semaphore_mem>>)
      %mul3A_106 = arith.constant 2 : i32
      %mul3A_107 = arith.muli %mul3A_106, %scan3A_67 : i32
      %add3A_108 = arith.constant 1 : i32
      %add3A_109 = arith.addi %mul3A_107, %add3A_108 : i32
      %mul3A_110 = arith.constant 2 : i32
      %mul3A_111 = arith.muli %add3A_109, %mul3A_110 : i32
      %add3A_112 = arith.constant 0 : i32
      %add3A_113 = arith.addi %mul3A_111, %add3A_112 : i32
      %mul3A_114 = arith.constant 80 : i32
      %mul3A_115 = arith.muli %add3A_113, %mul3A_114 : i32
      %dma_wait3A_116 = tpu.memref_slice %arg7[%mul3A_115] : memref<10000xi32, #tpu.memory_space<vmem>> -> memref<80xi32, #tpu.memory_space<vmem>>
      %dma_wait3A_117 = arith.constant 0 : i32
      %dma_wait3A_118 = arith.constant 0 : i32
      %dma_wait3A_119 = tpu.memref_slice %arg4[%dma_wait3A_117, %dma_wait3A_118] : memref<10000x128xf32, #tpu.memory_space<hbm>> -> memref<10000x128xf32, #tpu.memory_space<hbm>>
      tpu.wait_indirect_dma semaphore(%arg12 : memref<!tpu.dma_semaphore, #tpu.memory_space<semaphore_mem>>) src(%dma_wait3A_119 : memref<10000x128xf32, #tpu.memory_space<hbm>>) dst(%arg9 : memref<80x128xf32, #tpu.memory_space<vmem>>)
      "tpu.region"() ({
        %run_scoped3A_146 = tpu.sem_alloc : memref<!tpu.dma_semaphore, #tpu.memory_space<semaphore_mem>>
        %dma_start3A_147 = arith.constant 0 : i32
        %dma_start3A_148 = tpu.memref_slice %arg8[%add3A_113, %dma_start3A_147] : memref<125x80xi32, #tpu.memory_space<vmem>> -> memref<1x80xi32, #tpu.memory_space<vmem>>
        %dma_start3A_149 = tpu.memref_squeeze %dma_start3A_148 : memref<1x80xi32, #tpu.memory_space<vmem>> -> memref<80xi32, #tpu.memory_space<vmem>>
        %dma_start3A_150 = arith.constant 0 : i32
        %dma_start3A_151 = arith.constant 0 : i32
        %dma_start3A_152 = tpu.memref_slice %arg11[%dma_start3A_150, %dma_start3A_151] : memref<10240x128xf32, #tpu.memory_space<vmem_shared>> -> memref<10240x128xf32, #tpu.memory_space<vmem_shared>>
        tpu.enqueue_indirect_dma source(%arg9 : memref<80x128xf32, #tpu.memory_space<vmem>>) target(%dma_start3A_152 : memref<10240x128xf32, #tpu.memory_space<vmem_shared>>) offsets(%dma_start3A_149 : memref<80xi32, #tpu.memory_space<vmem>>) semaphore(%run_scoped3A_146 : memref<!tpu.dma_semaphore, #tpu.memory_space<semaphore_mem>>) {add = true}
        %dma_wait3A_153 = arith.constant 0 : i32
        %dma_wait3A_154 = tpu.memref_slice %arg8[%add3A_113, %dma_wait3A_153] : memref<125x80xi32, #tpu.memory_space<vmem>> -> memref<1x80xi32, #tpu.memory_space<vmem>>
        %dma_wait3A_155 = tpu.memref_squeeze %dma_wait3A_154 : memref<1x80xi32, #tpu.memory_space<vmem>> -> memref<80xi32, #tpu.memory_space<vmem>>
        %dma_wait3A_156 = arith.constant 0 : i32
        %dma_wait3A_157 = arith.constant 0 : i32
        %dma_wait3A_158 = tpu.memref_slice %arg11[%dma_wait3A_156, %dma_wait3A_157] : memref<10240x128xf32, #tpu.memory_space<vmem_shared>> -> memref<10240x128xf32, #tpu.memory_space<vmem_shared>>
        tpu.wait_indirect_dma semaphore(%run_scoped3A_146 : memref<!tpu.dma_semaphore, #tpu.memory_space<semaphore_mem>>) src(%arg9 : memref<80x128xf32, #tpu.memory_space<vmem>>) dst(%dma_wait3A_158 : memref<10240x128xf32, #tpu.memory_space<vmem_shared>>)
        tpu.yield
      }) : () -> ()
      %add3A_120 = arith.constant 2 : i32
      %add3A_121 = arith.addi %add3A_113, %add3A_120 : i32
      %mul3A_122 = arith.constant 80 : i32
      %mul3A_123 = arith.muli %add3A_121, %mul3A_122 : i32
      %dma_start3A_124 = tpu.memref_slice %arg7[%mul3A_123] : memref<10000xi32, #tpu.memory_space<vmem>> -> memref<80xi32, #tpu.memory_space<vmem>>
      %dma_start3A_125 = arith.constant 0 : i32
      %dma_start3A_126 = arith.constant 0 : i32
      %dma_start3A_127 = tpu.memref_slice %arg4[%dma_start3A_125, %dma_start3A_126] : memref<10000x128xf32, #tpu.memory_space<hbm>> -> memref<10000x128xf32, #tpu.memory_space<hbm>>
      tpu.enqueue_indirect_dma source(%dma_start3A_127 : memref<10000x128xf32, #tpu.memory_space<hbm>>) target(%arg9 : memref<80x128xf32, #tpu.memory_space<vmem>>) offsets(%dma_start3A_124 : memref<80xi32, #tpu.memory_space<vmem>>) semaphore(%arg12 : memref<!tpu.dma_semaphore, #tpu.memory_space<semaphore_mem>>)
      %mul3A_128 = arith.constant 2 : i32
      %mul3A_129 = arith.muli %add3A_109, %mul3A_128 : i32
      %add3A_130 = arith.constant 1 : i32
      %add3A_131 = arith.addi %mul3A_129, %add3A_130 : i32
      %mul3A_132 = arith.constant 80 : i32
      %mul3A_133 = arith.muli %add3A_131, %mul3A_132 : i32
      %dma_wait3A_134 = tpu.memref_slice %arg7[%mul3A_133] : memref<10000xi32, #tpu.memory_space<vmem>> -> memref<80xi32, #tpu.memory_space<vmem>>
      %dma_wait3A_135 = arith.constant 0 : i32
      %dma_wait3A_136 = arith.constant 0 : i32
      %dma_wait3A_137 = tpu.memref_slice %arg4[%dma_wait3A_135, %dma_wait3A_136] : memref<10000x128xf32, #tpu.memory_space<hbm>> -> memref<10000x128xf32, #tpu.memory_space<hbm>>
      tpu.wait_indirect_dma semaphore(%arg13 : memref<!tpu.dma_semaphore, #tpu.memory_space<semaphore_mem>>) src(%dma_wait3A_137 : memref<10000x128xf32, #tpu.memory_space<hbm>>) dst(%arg10 : memref<80x128xf32, #tpu.memory_space<vmem>>)
      "tpu.region"() ({
        %run_scoped3A_146 = tpu.sem_alloc : memref<!tpu.dma_semaphore, #tpu.memory_space<semaphore_mem>>
        %dma_start3A_147 = arith.constant 0 : i32
        %dma_start3A_148 = tpu.memref_slice %arg8[%add3A_131, %dma_start3A_147] : memref<125x80xi32, #tpu.memory_space<vmem>> -> memref<1x80xi32, #tpu.memory_space<vmem>>
        %dma_start3A_149 = tpu.memref_squeeze %dma_start3A_148 : memref<1x80xi32, #tpu.memory_space<vmem>> -> memref<80xi32, #tpu.memory_space<vmem>>
        %dma_start3A_150 = arith.constant 0 : i32
        %dma_start3A_151 = arith.constant 0 : i32
        %dma_start3A_152 = tpu.memref_slice %arg11[%dma_start3A_150, %dma_start3A_151] : memref<10240x128xf32, #tpu.memory_space<vmem_shared>> -> memref<10240x128xf32, #tpu.memory_space<vmem_shared>>
        tpu.enqueue_indirect_dma source(%arg10 : memref<80x128xf32, #tpu.memory_space<vmem>>) target(%dma_start3A_152 : memref<10240x128xf32, #tpu.memory_space<vmem_shared>>) offsets(%dma_start3A_149 : memref<80xi32, #tpu.memory_space<vmem>>) semaphore(%run_scoped3A_146 : memref<!tpu.dma_semaphore, #tpu.memory_space<semaphore_mem>>) {add = true}
        %dma_wait3A_153 = arith.constant 0 : i32
        %dma_wait3A_154 = tpu.memref_slice %arg8[%add3A_131, %dma_wait3A_153] : memref<125x80xi32, #tpu.memory_space<vmem>> -> memref<1x80xi32, #tpu.memory_space<vmem>>
        %dma_wait3A_155 = tpu.memref_squeeze %dma_wait3A_154 : memref<1x80xi32, #tpu.memory_space<vmem>> -> memref<80xi32, #tpu.memory_space<vmem>>
        %dma_wait3A_156 = arith.constant 0 : i32
        %dma_wait3A_157 = arith.constant 0 : i32
        %dma_wait3A_158 = tpu.memref_slice %arg11[%dma_wait3A_156, %dma_wait3A_157] : memref<10240x128xf32, #tpu.memory_space<vmem_shared>> -> memref<10240x128xf32, #tpu.memory_space<vmem_shared>>
        tpu.wait_indirect_dma semaphore(%run_scoped3A_146 : memref<!tpu.dma_semaphore, #tpu.memory_space<semaphore_mem>>) src(%arg10 : memref<80x128xf32, #tpu.memory_space<vmem>>) dst(%dma_wait3A_158 : memref<10240x128xf32, #tpu.memory_space<vmem_shared>>)
        tpu.yield
      }) : () -> ()
      %add3A_138 = arith.constant 2 : i32
      %add3A_139 = arith.addi %add3A_131, %add3A_138 : i32
      %mul3A_140 = arith.constant 80 : i32
      %mul3A_141 = arith.muli %add3A_139, %mul3A_140 : i32
      %dma_start3A_142 = tpu.memref_slice %arg7[%mul3A_141] : memref<10000xi32, #tpu.memory_space<vmem>> -> memref<80xi32, #tpu.memory_space<vmem>>
      %dma_start3A_143 = arith.constant 0 : i32
      %dma_start3A_144 = arith.constant 0 : i32
      %dma_start3A_145 = tpu.memref_slice %arg4[%dma_start3A_143, %dma_start3A_144] : memref<10000x128xf32, #tpu.memory_space<hbm>> -> memref<10000x128xf32, #tpu.memory_space<hbm>>
      tpu.enqueue_indirect_dma source(%dma_start3A_145 : memref<10000x128xf32, #tpu.memory_space<hbm>>) target(%arg10 : memref<80x128xf32, #tpu.memory_space<vmem>>) offsets(%dma_start3A_142 : memref<80xi32, #tpu.memory_space<vmem>>) semaphore(%arg13 : memref<!tpu.dma_semaphore, #tpu.memory_space<semaphore_mem>>)
    }
    %scan3A_18 = arith.constant 30 : i32
    %dma_wait3A = arith.constant 9600 : i32
    %dma_wait3A_19 = tpu.memref_slice %arg7[%dma_wait3A] : memref<10000xi32, #tpu.memory_space<vmem>> -> memref<80xi32, #tpu.memory_space<vmem>>
    %dma_wait3A_20 = arith.constant 0 : i32
    %dma_wait3A_21 = arith.constant 0 : i32
    %dma_wait3A_22 = tpu.memref_slice %arg4[%dma_wait3A_20, %dma_wait3A_21] : memref<10000x128xf32, #tpu.memory_space<hbm>> -> memref<10000x128xf32, #tpu.memory_space<hbm>>
    tpu.wait_indirect_dma semaphore(%arg12 : memref<!tpu.dma_semaphore, #tpu.memory_space<semaphore_mem>>) src(%dma_wait3A_22 : memref<10000x128xf32, #tpu.memory_space<hbm>>) dst(%arg9 : memref<80x128xf32, #tpu.memory_space<vmem>>)
    %run_scoped3A = arith.constant 120 : i32
    "tpu.region"() ({
      %run_scoped3A_67 = tpu.sem_alloc : memref<!tpu.dma_semaphore, #tpu.memory_space<semaphore_mem>>
      %dma_start3A_68 = arith.constant 0 : i32
      %dma_start3A_69 = tpu.memref_slice %arg8[%run_scoped3A, %dma_start3A_68] : memref<125x80xi32, #tpu.memory_space<vmem>> -> memref<1x80xi32, #tpu.memory_space<vmem>>
      %dma_start3A_70 = tpu.memref_squeeze %dma_start3A_69 : memref<1x80xi32, #tpu.memory_space<vmem>> -> memref<80xi32, #tpu.memory_space<vmem>>
      %dma_start3A_71 = arith.constant 0 : i32
      %dma_start3A_72 = arith.constant 0 : i32
      %dma_start3A_73 = tpu.memref_slice %arg11[%dma_start3A_71, %dma_start3A_72] : memref<10240x128xf32, #tpu.memory_space<vmem_shared>> -> memref<10240x128xf32, #tpu.memory_space<vmem_shared>>
      tpu.enqueue_indirect_dma source(%arg9 : memref<80x128xf32, #tpu.memory_space<vmem>>) target(%dma_start3A_73 : memref<10240x128xf32, #tpu.memory_space<vmem_shared>>) offsets(%dma_start3A_70 : memref<80xi32, #tpu.memory_space<vmem>>) semaphore(%run_scoped3A_67 : memref<!tpu.dma_semaphore, #tpu.memory_space<semaphore_mem>>) {add = true}
      %dma_wait3A_74 = arith.constant 0 : i32
      %dma_wait3A_75 = tpu.memref_slice %arg8[%run_scoped3A, %dma_wait3A_74] : memref<125x80xi32, #tpu.memory_space<vmem>> -> memref<1x80xi32, #tpu.memory_space<vmem>>
      %dma_wait3A_76 = tpu.memref_squeeze %dma_wait3A_75 : memref<1x80xi32, #tpu.memory_space<vmem>> -> memref<80xi32, #tpu.memory_space<vmem>>
      %dma_wait3A_77 = arith.constant 0 : i32
      %dma_wait3A_78 = arith.constant 0 : i32
      %dma_wait3A_79 = tpu.memref_slice %arg11[%dma_wait3A_77, %dma_wait3A_78] : memref<10240x128xf32, #tpu.memory_space<vmem_shared>> -> memref<10240x128xf32, #tpu.memory_space<vmem_shared>>
      tpu.wait_indirect_dma semaphore(%run_scoped3A_67 : memref<!tpu.dma_semaphore, #tpu.memory_space<semaphore_mem>>) src(%arg9 : memref<80x128xf32, #tpu.memory_space<vmem>>) dst(%dma_wait3A_79 : memref<10240x128xf32, #tpu.memory_space<vmem_shared>>)
      tpu.yield
    }) : () -> ()
    %dma_start3A_23 = arith.constant 9760 : i32
    %dma_start3A_24 = tpu.memref_slice %arg7[%dma_start3A_23] : memref<10000xi32, #tpu.memory_space<vmem>> -> memref<80xi32, #tpu.memory_space<vmem>>
    %dma_start3A_25 = arith.constant 0 : i32
    %dma_start3A_26 = arith.constant 0 : i32
    %dma_start3A_27 = tpu.memref_slice %arg4[%dma_start3A_25, %dma_start3A_26] : memref<10000x128xf32, #tpu.memory_space<hbm>> -> memref<10000x128xf32, #tpu.memory_space<hbm>>
    tpu.enqueue_indirect_dma source(%dma_start3A_27 : memref<10000x128xf32, #tpu.memory_space<hbm>>) target(%arg9 : memref<80x128xf32, #tpu.memory_space<vmem>>) offsets(%dma_start3A_24 : memref<80xi32, #tpu.memory_space<vmem>>) semaphore(%arg12 : memref<!tpu.dma_semaphore, #tpu.memory_space<semaphore_mem>>)
    %dma_wait3A_28 = arith.constant 9680 : i32
    %dma_wait3A_29 = tpu.memref_slice %arg7[%dma_wait3A_28] : memref<10000xi32, #tpu.memory_space<vmem>> -> memref<80xi32, #tpu.memory_space<vmem>>
    %dma_wait3A_30 = arith.constant 0 : i32
    %dma_wait3A_31 = arith.constant 0 : i32
    %dma_wait3A_32 = tpu.memref_slice %arg4[%dma_wait3A_30, %dma_wait3A_31] : memref<10000x128xf32, #tpu.memory_space<hbm>> -> memref<10000x128xf32, #tpu.memory_space<hbm>>
    tpu.wait_indirect_dma semaphore(%arg13 : memref<!tpu.dma_semaphore, #tpu.memory_space<semaphore_mem>>) src(%dma_wait3A_32 : memref<10000x128xf32, #tpu.memory_space<hbm>>) dst(%arg10 : memref<80x128xf32, #tpu.memory_space<vmem>>)
    %run_scoped3A_33 = arith.constant 121 : i32
    "tpu.region"() ({
      %run_scoped3A_67 = tpu.sem_alloc : memref<!tpu.dma_semaphore, #tpu.memory_space<semaphore_mem>>
      %dma_start3A_68 = arith.constant 0 : i32
      %dma_start3A_69 = tpu.memref_slice %arg8[%run_scoped3A_33, %dma_start3A_68] : memref<125x80xi32, #tpu.memory_space<vmem>> -> memref<1x80xi32, #tpu.memory_space<vmem>>
      %dma_start3A_70 = tpu.memref_squeeze %dma_start3A_69 : memref<1x80xi32, #tpu.memory_space<vmem>> -> memref<80xi32, #tpu.memory_space<vmem>>
      %dma_start3A_71 = arith.constant 0 : i32
      %dma_start3A_72 = arith.constant 0 : i32
      %dma_start3A_73 = tpu.memref_slice %arg11[%dma_start3A_71, %dma_start3A_72] : memref<10240x128xf32, #tpu.memory_space<vmem_shared>> -> memref<10240x128xf32, #tpu.memory_space<vmem_shared>>
      tpu.enqueue_indirect_dma source(%arg10 : memref<80x128xf32, #tpu.memory_space<vmem>>) target(%dma_start3A_73 : memref<10240x128xf32, #tpu.memory_space<vmem_shared>>) offsets(%dma_start3A_70 : memref<80xi32, #tpu.memory_space<vmem>>) semaphore(%run_scoped3A_67 : memref<!tpu.dma_semaphore, #tpu.memory_space<semaphore_mem>>) {add = true}
      %dma_wait3A_74 = arith.constant 0 : i32
      %dma_wait3A_75 = tpu.memref_slice %arg8[%run_scoped3A_33, %dma_wait3A_74] : memref<125x80xi32, #tpu.memory_space<vmem>> -> memref<1x80xi32, #tpu.memory_space<vmem>>
      %dma_wait3A_76 = tpu.memref_squeeze %dma_wait3A_75 : memref<1x80xi32, #tpu.memory_space<vmem>> -> memref<80xi32, #tpu.memory_space<vmem>>
      %dma_wait3A_77 = arith.constant 0 : i32
      %dma_wait3A_78 = arith.constant 0 : i32
      %dma_wait3A_79 = tpu.memref_slice %arg11[%dma_wait3A_77, %dma_wait3A_78] : memref<10240x128xf32, #tpu.memory_space<vmem_shared>> -> memref<10240x128xf32, #tpu.memory_space<vmem_shared>>
      tpu.wait_indirect_dma semaphore(%run_scoped3A_67 : memref<!tpu.dma_semaphore, #tpu.memory_space<semaphore_mem>>) src(%arg10 : memref<80x128xf32, #tpu.memory_space<vmem>>) dst(%dma_wait3A_79 : memref<10240x128xf32, #tpu.memory_space<vmem_shared>>)
      tpu.yield
    }) : () -> ()
    %dma_start3A_34 = arith.constant 9840 : i32
    %dma_start3A_35 = tpu.memref_slice %arg7[%dma_start3A_34] : memref<10000xi32, #tpu.memory_space<vmem>> -> memref<80xi32, #tpu.memory_space<vmem>>
    %dma_start3A_36 = arith.constant 0 : i32
    %dma_start3A_37 = arith.constant 0 : i32
    %dma_start3A_38 = tpu.memref_slice %arg4[%dma_start3A_36, %dma_start3A_37] : memref<10000x128xf32, #tpu.memory_space<hbm>> -> memref<10000x128xf32, #tpu.memory_space<hbm>>
    tpu.enqueue_indirect_dma source(%dma_start3A_38 : memref<10000x128xf32, #tpu.memory_space<hbm>>) target(%arg10 : memref<80x128xf32, #tpu.memory_space<vmem>>) offsets(%dma_start3A_35 : memref<80xi32, #tpu.memory_space<vmem>>) semaphore(%arg13 : memref<!tpu.dma_semaphore, #tpu.memory_space<semaphore_mem>>)
    %dma_wait3A_39 = arith.constant 9760 : i32
    %dma_wait3A_40 = tpu.memref_slice %arg7[%dma_wait3A_39] : memref<10000xi32, #tpu.memory_space<vmem>> -> memref<80xi32, #tpu.memory_space<vmem>>
    %dma_wait3A_41 = arith.constant 0 : i32
    %dma_wait3A_42 = arith.constant 0 : i32
    %dma_wait3A_43 = tpu.memref_slice %arg4[%dma_wait3A_41, %dma_wait3A_42] : memref<10000x128xf32, #tpu.memory_space<hbm>> -> memref<10000x128xf32, #tpu.memory_space<hbm>>
    tpu.wait_indirect_dma semaphore(%arg12 : memref<!tpu.dma_semaphore, #tpu.memory_space<semaphore_mem>>) src(%dma_wait3A_43 : memref<10000x128xf32, #tpu.memory_space<hbm>>) dst(%arg9 : memref<80x128xf32, #tpu.memory_space<vmem>>)
    %run_scoped3A_44 = arith.constant 122 : i32
    "tpu.region"() ({
      %run_scoped3A_67 = tpu.sem_alloc : memref<!tpu.dma_semaphore, #tpu.memory_space<semaphore_mem>>
      %dma_start3A_68 = arith.constant 0 : i32
      %dma_start3A_69 = tpu.memref_slice %arg8[%run_scoped3A_44, %dma_start3A_68] : memref<125x80xi32, #tpu.memory_space<vmem>> -> memref<1x80xi32, #tpu.memory_space<vmem>>
      %dma_start3A_70 = tpu.memref_squeeze %dma_start3A_69 : memref<1x80xi32, #tpu.memory_space<vmem>> -> memref<80xi32, #tpu.memory_space<vmem>>
      %dma_start3A_71 = arith.constant 0 : i32
      %dma_start3A_72 = arith.constant 0 : i32
      %dma_start3A_73 = tpu.memref_slice %arg11[%dma_start3A_71, %dma_start3A_72] : memref<10240x128xf32, #tpu.memory_space<vmem_shared>> -> memref<10240x128xf32, #tpu.memory_space<vmem_shared>>
      tpu.enqueue_indirect_dma source(%arg9 : memref<80x128xf32, #tpu.memory_space<vmem>>) target(%dma_start3A_73 : memref<10240x128xf32, #tpu.memory_space<vmem_shared>>) offsets(%dma_start3A_70 : memref<80xi32, #tpu.memory_space<vmem>>) semaphore(%run_scoped3A_67 : memref<!tpu.dma_semaphore, #tpu.memory_space<semaphore_mem>>) {add = true}
      %dma_wait3A_74 = arith.constant 0 : i32
      %dma_wait3A_75 = tpu.memref_slice %arg8[%run_scoped3A_44, %dma_wait3A_74] : memref<125x80xi32, #tpu.memory_space<vmem>> -> memref<1x80xi32, #tpu.memory_space<vmem>>
      %dma_wait3A_76 = tpu.memref_squeeze %dma_wait3A_75 : memref<1x80xi32, #tpu.memory_space<vmem>> -> memref<80xi32, #tpu.memory_space<vmem>>
      %dma_wait3A_77 = arith.constant 0 : i32
      %dma_wait3A_78 = arith.constant 0 : i32
      %dma_wait3A_79 = tpu.memref_slice %arg11[%dma_wait3A_77, %dma_wait3A_78] : memref<10240x128xf32, #tpu.memory_space<vmem_shared>> -> memref<10240x128xf32, #tpu.memory_space<vmem_shared>>
      tpu.wait_indirect_dma semaphore(%run_scoped3A_67 : memref<!tpu.dma_semaphore, #tpu.memory_space<semaphore_mem>>) src(%arg9 : memref<80x128xf32, #tpu.memory_space<vmem>>) dst(%dma_wait3A_79 : memref<10240x128xf32, #tpu.memory_space<vmem_shared>>)
      tpu.yield
    }) : () -> ()
    %dma_wait3A_45 = arith.constant 9840 : i32
    %dma_wait3A_46 = tpu.memref_slice %arg7[%dma_wait3A_45] : memref<10000xi32, #tpu.memory_space<vmem>> -> memref<80xi32, #tpu.memory_space<vmem>>
    %dma_wait3A_47 = arith.constant 0 : i32
    %dma_wait3A_48 = arith.constant 0 : i32
    %dma_wait3A_49 = tpu.memref_slice %arg4[%dma_wait3A_47, %dma_wait3A_48] : memref<10000x128xf32, #tpu.memory_space<hbm>> -> memref<10000x128xf32, #tpu.memory_space<hbm>>
    tpu.wait_indirect_dma semaphore(%arg13 : memref<!tpu.dma_semaphore, #tpu.memory_space<semaphore_mem>>) src(%dma_wait3A_49 : memref<10000x128xf32, #tpu.memory_space<hbm>>) dst(%arg10 : memref<80x128xf32, #tpu.memory_space<vmem>>)
    %run_scoped3A_50 = arith.constant 123 : i32
    "tpu.region"() ({
      %run_scoped3A_67 = tpu.sem_alloc : memref<!tpu.dma_semaphore, #tpu.memory_space<semaphore_mem>>
      %dma_start3A_68 = arith.constant 0 : i32
      %dma_start3A_69 = tpu.memref_slice %arg8[%run_scoped3A_50, %dma_start3A_68] : memref<125x80xi32, #tpu.memory_space<vmem>> -> memref<1x80xi32, #tpu.memory_space<vmem>>
      %dma_start3A_70 = tpu.memref_squeeze %dma_start3A_69 : memref<1x80xi32, #tpu.memory_space<vmem>> -> memref<80xi32, #tpu.memory_space<vmem>>
      %dma_start3A_71 = arith.constant 0 : i32
      %dma_start3A_72 = arith.constant 0 : i32
      %dma_start3A_73 = tpu.memref_slice %arg11[%dma_start3A_71, %dma_start3A_72] : memref<10240x128xf32, #tpu.memory_space<vmem_shared>> -> memref<10240x128xf32, #tpu.memory_space<vmem_shared>>
      tpu.enqueue_indirect_dma source(%arg10 : memref<80x128xf32, #tpu.memory_space<vmem>>) target(%dma_start3A_73 : memref<10240x128xf32, #tpu.memory_space<vmem_shared>>) offsets(%dma_start3A_70 : memref<80xi32, #tpu.memory_space<vmem>>) semaphore(%run_scoped3A_67 : memref<!tpu.dma_semaphore, #tpu.memory_space<semaphore_mem>>) {add = true}
      %dma_wait3A_74 = arith.constant 0 : i32
      %dma_wait3A_75 = tpu.memref_slice %arg8[%run_scoped3A_50, %dma_wait3A_74] : memref<125x80xi32, #tpu.memory_space<vmem>> -> memref<1x80xi32, #tpu.memory_space<vmem>>
      %dma_wait3A_76 = tpu.memref_squeeze %dma_wait3A_75 : memref<1x80xi32, #tpu.memory_space<vmem>> -> memref<80xi32, #tpu.memory_space<vmem>>
      %dma_wait3A_77 = arith.constant 0 : i32
      %dma_wait3A_78 = arith.constant 0 : i32
      %dma_wait3A_79 = tpu.memref_slice %arg11[%dma_wait3A_77, %dma_wait3A_78] : memref<10240x128xf32, #tpu.memory_space<vmem_shared>> -> memref<10240x128xf32, #tpu.memory_space<vmem_shared>>
      tpu.wait_indirect_dma semaphore(%run_scoped3A_67 : memref<!tpu.dma_semaphore, #tpu.memory_space<semaphore_mem>>) src(%arg10 : memref<80x128xf32, #tpu.memory_space<vmem>>) dst(%dma_wait3A_79 : memref<10240x128xf32, #tpu.memory_space<vmem_shared>>)
      tpu.yield
    }) : () -> ()
    %dma_start3A_51 = arith.constant 9920 : i32
    %dma_start3A_52 = tpu.memref_slice %arg7[%dma_start3A_51] : memref<10000xi32, #tpu.memory_space<vmem>> -> memref<80xi32, #tpu.memory_space<vmem>>
    %dma_start3A_53 = arith.constant 0 : i32
    %dma_start3A_54 = arith.constant 0 : i32
    %dma_start3A_55 = tpu.memref_slice %arg4[%dma_start3A_53, %dma_start3A_54] : memref<10000x128xf32, #tpu.memory_space<hbm>> -> memref<10000x128xf32, #tpu.memory_space<hbm>>
    tpu.enqueue_indirect_dma source(%dma_start3A_55 : memref<10000x128xf32, #tpu.memory_space<hbm>>) target(%arg9 : memref<80x128xf32, #tpu.memory_space<vmem>>) offsets(%dma_start3A_52 : memref<80xi32, #tpu.memory_space<vmem>>) semaphore(%arg12 : memref<!tpu.dma_semaphore, #tpu.memory_space<semaphore_mem>>)
    %dma_wait3A_56 = arith.constant 9920 : i32
    %dma_wait3A_57 = tpu.memref_slice %arg7[%dma_wait3A_56] : memref<10000xi32, #tpu.memory_space<vmem>> -> memref<80xi32, #tpu.memory_space<vmem>>
    %dma_wait3A_58 = arith.constant 0 : i32
    %dma_wait3A_59 = arith.constant 0 : i32
    %dma_wait3A_60 = tpu.memref_slice %arg4[%dma_wait3A_58, %dma_wait3A_59] : memref<10000x128xf32, #tpu.memory_space<hbm>> -> memref<10000x128xf32, #tpu.memory_space<hbm>>
    tpu.wait_indirect_dma semaphore(%arg12 : memref<!tpu.dma_semaphore, #tpu.memory_space<semaphore_mem>>) src(%dma_wait3A_60 : memref<10000x128xf32, #tpu.memory_space<hbm>>) dst(%arg9 : memref<80x128xf32, #tpu.memory_space<vmem>>)
    %run_scoped3A_61 = arith.constant 124 : i32
    "tpu.region"() ({
      %run_scoped3A_67 = tpu.sem_alloc : memref<!tpu.dma_semaphore, #tpu.memory_space<semaphore_mem>>
      %dma_start3A_68 = arith.constant 0 : i32
      %dma_start3A_69 = tpu.memref_slice %arg8[%run_scoped3A_61, %dma_start3A_68] : memref<125x80xi32, #tpu.memory_space<vmem>> -> memref<1x80xi32, #tpu.memory_space<vmem>>
      %dma_start3A_70 = tpu.memref_squeeze %dma_start3A_69 : memref<1x80xi32, #tpu.memory_space<vmem>> -> memref<80xi32, #tpu.memory_space<vmem>>
      %dma_start3A_71 = arith.constant 0 : i32
      %dma_start3A_72 = arith.constant 0 : i32
      %dma_start3A_73 = tpu.memref_slice %arg11[%dma_start3A_71, %dma_start3A_72] : memref<10240x128xf32, #tpu.memory_space<vmem_shared>> -> memref<10240x128xf32, #tpu.memory_space<vmem_shared>>
      tpu.enqueue_indirect_dma source(%arg9 : memref<80x128xf32, #tpu.memory_space<vmem>>) target(%dma_start3A_73 : memref<10240x128xf32, #tpu.memory_space<vmem_shared>>) offsets(%dma_start3A_70 : memref<80xi32, #tpu.memory_space<vmem>>) semaphore(%run_scoped3A_67 : memref<!tpu.dma_semaphore, #tpu.memory_space<semaphore_mem>>) {add = true}
      %dma_wait3A_74 = arith.constant 0 : i32
      %dma_wait3A_75 = tpu.memref_slice %arg8[%run_scoped3A_61, %dma_wait3A_74] : memref<125x80xi32, #tpu.memory_space<vmem>> -> memref<1x80xi32, #tpu.memory_space<vmem>>
      %dma_wait3A_76 = tpu.memref_squeeze %dma_wait3A_75 : memref<1x80xi32, #tpu.memory_space<vmem>> -> memref<80xi32, #tpu.memory_space<vmem>>
      %dma_wait3A_77 = arith.constant 0 : i32
      %dma_wait3A_78 = arith.constant 0 : i32
      %dma_wait3A_79 = tpu.memref_slice %arg11[%dma_wait3A_77, %dma_wait3A_78] : memref<10240x128xf32, #tpu.memory_space<vmem_shared>> -> memref<10240x128xf32, #tpu.memory_space<vmem_shared>>
      tpu.wait_indirect_dma semaphore(%run_scoped3A_67 : memref<!tpu.dma_semaphore, #tpu.memory_space<semaphore_mem>>) src(%arg9 : memref<80x128xf32, #tpu.memory_space<vmem>>) dst(%dma_wait3A_79 : memref<10240x128xf32, #tpu.memory_space<vmem_shared>>)
      tpu.yield
    }) : () -> ()
    %barrier3A_62 = arith.constant 0 : index
    tpu.barrier barrier_id(%barrier3A_62)
    %mul3A_63 = arith.constant 640 : i32
    %mul3A_64 = arith.muli %arg1, %mul3A_63 : i32
    %mul3A_65 = arith.constant 640 : i32
    %mul3A_66 = arith.muli %arg1, %mul3A_65 : i32
    "tpu.region"() ({
      %run_scoped3A_67 = tpu.sem_alloc : memref<!tpu.dma_semaphore, #tpu.memory_space<semaphore_mem>>
      %dma_start3A_68 = arith.constant 0 : i32
      %dma_start3A_69 = tpu.memref_slice %arg6[%arg0, %mul3A_66, %dma_start3A_68] : memref<2x10240x128xf32, #tpu.memory_space<hbm>> -> memref<1x640x128xf32, #tpu.memory_space<hbm>>
      %dma_start3A_70 = tpu.memref_squeeze %dma_start3A_69 : memref<1x640x128xf32, #tpu.memory_space<hbm>> -> memref<640x128xf32, #tpu.memory_space<hbm>>
      %dma_start3A_71 = arith.constant 0 : i32
      %dma_start3A_72 = tpu.memref_slice %arg11[%mul3A_64, %dma_start3A_71] : memref<10240x128xf32, #tpu.memory_space<vmem_shared>> -> memref<640x128xf32, #tpu.memory_space<vmem_shared>>
      tpu.enqueue_dma source(%dma_start3A_72 : memref<640x128xf32, #tpu.memory_space<vmem_shared>>) target(%dma_start3A_70 : memref<640x128xf32, #tpu.memory_space<hbm>>) target_semaphore(%run_scoped3A_67 : memref<!tpu.dma_semaphore, #tpu.memory_space<semaphore_mem>>)
      %dma_wait3A_73 = arith.constant 0 : i32
      %dma_wait3A_74 = tpu.memref_slice %arg6[%arg0, %mul3A_66, %dma_wait3A_73] : memref<2x10240x128xf32, #tpu.memory_space<hbm>> -> memref<1x640x128xf32, #tpu.memory_space<hbm>>
      %dma_wait3A_75 = tpu.memref_squeeze %dma_wait3A_74 : memref<1x640x128xf32, #tpu.memory_space<hbm>> -> memref<640x128xf32, #tpu.memory_space<hbm>>
      %dma_wait3A_76 = arith.constant 0 : i32
      %dma_wait3A_77 = tpu.memref_slice %arg11[%mul3A_64, %dma_wait3A_76] : memref<10240x128xf32, #tpu.memory_space<vmem_shared>> -> memref<640x128xf32, #tpu.memory_space<vmem_shared>>
      tpu.wait_dma2 semaphore(%run_scoped3A_67 : memref<!tpu.dma_semaphore, #tpu.memory_space<semaphore_mem>>) src(%dma_wait3A_77 : memref<640x128xf32, #tpu.memory_space<vmem_shared>>) dst(%dma_wait3A_75 : memref<640x128xf32, #tpu.memory_space<hbm>>)
      tpu.yield
    }) : () -> ()
    return
  }
}

module attributes {stable_mosaic.version = 14 : i64} {
  func.func @_lstm_tc(%arg0: i32, %arg1: memref<1x2000x128xf32, #tpu.memory_space<vmem>>, %arg2: memref<1x2000x128xf32, #tpu.memory_space<vmem>>, %arg3: memref<2000x128xf32, #tpu.memory_space<vmem>>, %arg4: memref<2000x128xf32, #tpu.memory_space<vmem>>, %arg5: memref<128x512xf32, #tpu.memory_space<vmem>>, %arg6: memref<128x512xf32, #tpu.memory_space<vmem>>, %arg7: memref<1x512xf32, #tpu.memory_space<vmem>>, %arg8: memref<2000x128xf32, #tpu.memory_space<vmem>>, %arg9: memref<2000x128xf32, #tpu.memory_space<vmem>>) attributes {dimension_semantics = [#tpu.dimension_semantics<arbitrary>], iteration_bounds = array<i64: 5>, scalar_prefetch = 0 : i64, scratch_operands = 0 : i64, tpu.core_type = #tpu.core_type<tc>, window_params = [{transform_indices = @transform_0, window_bounds = array<i64: 1, 2000, 128>}, {transform_indices = @transform_1, window_bounds = array<i64: 1, 2000, 128>}, {transform_indices = @transform_2, window_bounds = array<i64: 2000, 128>}, {transform_indices = @transform_3, window_bounds = array<i64: 2000, 128>}, {pipeline_mode = #tpu.pipeline_mode<synchronous>, transform_indices = @transform_4, window_bounds = array<i64: 128, 512>}, {pipeline_mode = #tpu.pipeline_mode<synchronous>, transform_indices = @transform_5, window_bounds = array<i64: 128, 512>}, {pipeline_mode = #tpu.pipeline_mode<synchronous>, transform_indices = @transform_6, window_bounds = array<i64: 1, 512>}, {transform_indices = @transform_7, window_bounds = array<i64: 2000, 128>}, {transform_indices = @transform_8, window_bounds = array<i64: 2000, 128>}]} {
    %get3A = arith.constant 0 : index
    %get3A_0 = arith.constant 0 : index
    %get3A_1 = arith.constant 0 : index
    %get3A_2 = vector.load %arg1[%get3A, %get3A_0, %get3A_1] : memref<1x2000x128xf32, #tpu.memory_space<vmem>>, vector<1x2000x128xf32>
    %get3A_3 = vector.shape_cast %get3A_2 : vector<1x2000x128xf32> to vector<2000x128xf32>
    %get3A_4 = arith.constant 0 : index
    %get3A_5 = arith.constant 0 : index
    %get3A_6 = arith.constant 0 : index
    %get3A_7 = vector.load %arg2[%get3A_4, %get3A_5, %get3A_6] : memref<1x2000x128xf32, #tpu.memory_space<vmem>>, vector<1x2000x128xf32>
    %get3A_8 = vector.shape_cast %get3A_7 : vector<1x2000x128xf32> to vector<2000x128xf32>
    %add3A = arith.addf %get3A_3, %get3A_8 : vector<2000x128xf32>
    %get3A_9 = arith.constant 0 : index
    %get3A_10 = arith.constant 0 : index
    %get3A_11 = vector.load %arg5[%get3A_9, %get3A_10] : memref<128x512xf32, #tpu.memory_space<vmem>>, vector<128x512xf32>
    %dot_general3A = arith.constant dense<0.000000e+00> : vector<2000x512xf32>
    %dot_general3A_12 = tpu.matmul %add3A, %get3A_11, %dot_general3A {dimension_numbers = #tpu.dot_dimension_numbers<[1], [0], [0], [1], [0, 0, 1, 1], [], []>, transpose_lhs_hint = false} : vector<2000x128xf32>, vector<128x512xf32>, vector<2000x512xf32> -> vector<2000x512xf32>
    %get3A_13 = arith.constant 0 : index
    %get3A_14 = arith.constant 0 : index
    %get3A_15 = vector.load %arg3[%get3A_13, %get3A_14] : memref<2000x128xf32, #tpu.memory_space<vmem>>, vector<2000x128xf32>
    %get3A_16 = arith.constant 0 : index
    %get3A_17 = arith.constant 0 : index
    %get3A_18 = vector.load %arg6[%get3A_16, %get3A_17] : memref<128x512xf32, #tpu.memory_space<vmem>>, vector<128x512xf32>
    %dot_general3A_19 = arith.constant dense<0.000000e+00> : vector<2000x512xf32>
    %dot_general3A_20 = tpu.matmul %get3A_15, %get3A_18, %dot_general3A_19 {dimension_numbers = #tpu.dot_dimension_numbers<[1], [0], [0], [1], [0, 0, 1, 1], [], []>, transpose_lhs_hint = false} : vector<2000x128xf32>, vector<128x512xf32>, vector<2000x512xf32> -> vector<2000x512xf32>
    %add3A_21 = arith.addf %dot_general3A_12, %dot_general3A_20 : vector<2000x512xf32>
    %get3A_22 = arith.constant 0 : index
    %get3A_23 = arith.constant 0 : index
    %get3A_24 = vector.load %arg7[%get3A_22, %get3A_23] : memref<1x512xf32, #tpu.memory_space<vmem>>, vector<1x512xf32>
    %add3A_25 = vector.broadcast %get3A_24 : vector<1x512xf32> to vector<2000x512xf32>
    %add3A_26 = arith.addf %add3A_21, %add3A_25 : vector<2000x512xf32>
    %slice3A = vector.extract_strided_slice %add3A_26 {offsets = [0, 0], sizes = [2000, 128], strides = [1, 1]} : vector<2000x512xf32> to vector<2000x128xf32>
    %logistic3A = arith.negf %slice3A : vector<2000x128xf32>
    %logistic3A_27 = math.exp %logistic3A : vector<2000x128xf32>
    %logistic3A_28 = arith.constant 1.000000e+00 : f32
    %logistic3A_29 = vector.broadcast %logistic3A_28 : f32 to vector<2000x128xf32>
    %logistic3A_30 = arith.addf %logistic3A_29, %logistic3A_27 : vector<2000x128xf32>
    %logistic3A_31 = arith.divf %logistic3A_29, %logistic3A_30 : vector<2000x128xf32>
    %slice3A_32 = vector.extract_strided_slice %add3A_26 {offsets = [0, 128], sizes = [2000, 128], strides = [1, 1]} : vector<2000x512xf32> to vector<2000x128xf32>
    %logistic3A_33 = arith.negf %slice3A_32 : vector<2000x128xf32>
    %logistic3A_34 = math.exp %logistic3A_33 : vector<2000x128xf32>
    %logistic3A_35 = arith.constant 1.000000e+00 : f32
    %logistic3A_36 = vector.broadcast %logistic3A_35 : f32 to vector<2000x128xf32>
    %logistic3A_37 = arith.addf %logistic3A_36, %logistic3A_34 : vector<2000x128xf32>
    %logistic3A_38 = arith.divf %logistic3A_36, %logistic3A_37 : vector<2000x128xf32>
    %slice3A_39 = vector.extract_strided_slice %add3A_26 {offsets = [0, 256], sizes = [2000, 128], strides = [1, 1]} : vector<2000x512xf32> to vector<2000x128xf32>
    %tanh3A = math.tanh %slice3A_39 : vector<2000x128xf32>
    %slice3A_40 = vector.extract_strided_slice %add3A_26 {offsets = [0, 384], sizes = [2000, 128], strides = [1, 1]} : vector<2000x512xf32> to vector<2000x128xf32>
    %logistic3A_41 = arith.negf %slice3A_40 : vector<2000x128xf32>
    %logistic3A_42 = math.exp %logistic3A_41 : vector<2000x128xf32>
    %logistic3A_43 = arith.constant 1.000000e+00 : f32
    %logistic3A_44 = vector.broadcast %logistic3A_43 : f32 to vector<2000x128xf32>
    %logistic3A_45 = arith.addf %logistic3A_44, %logistic3A_42 : vector<2000x128xf32>
    %logistic3A_46 = arith.divf %logistic3A_44, %logistic3A_45 : vector<2000x128xf32>
    %get3A_47 = arith.constant 0 : index
    %get3A_48 = arith.constant 0 : index
    %get3A_49 = vector.load %arg4[%get3A_47, %get3A_48] : memref<2000x128xf32, #tpu.memory_space<vmem>>, vector<2000x128xf32>
    %mul3A = arith.mulf %logistic3A_38, %get3A_49 : vector<2000x128xf32>
    %mul3A_50 = arith.mulf %logistic3A_31, %tanh3A : vector<2000x128xf32>
    %add3A_51 = arith.addf %mul3A, %mul3A_50 : vector<2000x128xf32>
    %tanh3A_52 = math.tanh %add3A_51 : vector<2000x128xf32>
    %mul3A_53 = arith.mulf %logistic3A_46, %tanh3A_52 : vector<2000x128xf32>
    %swap3A = arith.constant 0 : index
    %swap3A_54 = arith.constant 0 : index
    %swap3A_55 = vector.load %arg8[%swap3A, %swap3A_54] : memref<2000x128xf32, #tpu.memory_space<vmem>>, vector<2000x128xf32>
    tpu.vector_store %arg8[%swap3A, %swap3A_54], %mul3A_53 {strides = array<i32>} : memref<2000x128xf32, #tpu.memory_space<vmem>>, vector<2000x128xf32>,
    %swap3A_56 = arith.constant 0 : index
    %swap3A_57 = arith.constant 0 : index
    %swap3A_58 = vector.load %arg9[%swap3A_56, %swap3A_57] : memref<2000x128xf32, #tpu.memory_space<vmem>>, vector<2000x128xf32>
    tpu.vector_store %arg9[%swap3A_56, %swap3A_57], %add3A_51 {strides = array<i32>} : memref<2000x128xf32, #tpu.memory_space<vmem>>, vector<2000x128xf32>,
    return
  }
  func.func @transform_0(%arg0: i32) -> (i32, i32, i32) {
    %c0_i32 = arith.constant 0 : i32
    %c0_i32_0 = arith.constant 0 : i32
    %c0_i32_1 = arith.constant 0 : i32
    return %c0_i32, %arg0, %c0_i32_0 : i32, i32, i32
  }
  func.func @transform_1(%arg0: i32) -> (i32, i32, i32) {
    %c1_i32 = arith.constant 1 : i32
    %c0_i32 = arith.constant 0 : i32
    %c0_i32_0 = arith.constant 0 : i32
    return %c1_i32, %arg0, %c0_i32 : i32, i32, i32
  }
  func.func @transform_2(%arg0: i32) -> (i32, i32) {
    %c0_i32 = arith.constant 0 : i32
    %c0_i32_0 = arith.constant 0 : i32
    return %arg0, %c0_i32 : i32, i32
  }
  func.func @transform_3(%arg0: i32) -> (i32, i32) {
    %c0_i32 = arith.constant 0 : i32
    %c0_i32_0 = arith.constant 0 : i32
    return %arg0, %c0_i32 : i32, i32
  }
  func.func @transform_4(%arg0: i32) -> (i32, i32) {
    %c0_i32 = arith.constant 0 : i32
    %c0_i32_0 = arith.constant 0 : i32
    %c0_i32_1 = arith.constant 0 : i32
    return %c0_i32, %c0_i32_0 : i32, i32
  }
  func.func @transform_5(%arg0: i32) -> (i32, i32) {
    %c0_i32 = arith.constant 0 : i32
    %c0_i32_0 = arith.constant 0 : i32
    %c0_i32_1 = arith.constant 0 : i32
    return %c0_i32, %c0_i32_0 : i32, i32
  }
  func.func @transform_6(%arg0: i32) -> (i32, i32) {
    %c0_i32 = arith.constant 0 : i32
    %c0_i32_0 = arith.constant 0 : i32
    %c0_i32_1 = arith.constant 0 : i32
    return %c0_i32, %c0_i32_0 : i32, i32
  }
  func.func @transform_7(%arg0: i32) -> (i32, i32) {
    %c0_i32 = arith.constant 0 : i32
    %c0_i32_0 = arith.constant 0 : i32
    return %arg0, %c0_i32 : i32, i32
  }
  func.func @transform_8(%arg0: i32) -> (i32, i32) {
    %c0_i32 = arith.constant 0 : i32
    %c0_i32_0 = arith.constant 0 : i32
    return %arg0, %c0_i32 : i32, i32
  }
}

</mosaic_0001>

<sc_bundles>
// kernel: kernel.4.cloned.1.call-start
scs
__scs_entry_jumppad:
0x0: {  	(pc) =	sbr.rel $0x88, $3  }
0x1: {  	(tag) =	ssettag $0x0;
	lr =	simm.s32 $0x1  }
0x2: {  	[smem:$0x3F99] =	sst lr;
	_ =	strace $0xD0000000  }
0x3: {  	_ = 	snop  }
0x4: {  	_ = 	snop  }
0x5: {  	_ = 	snop  }
0x6: {  	_ = 	snop  }
0x7: {  	_ = 	snop  }
__scs_overlays_trampoline_lowered:
0x8: {  	[smem:$0x3FA8] =	sst s0  }
0x9: {  	[smem:$0x3FA9] =	sst s1  }
0xa: {  	[smem:$0x3FAA] =	sst s2  }
0xb: {  	[smem:$0x3FAB] =	sst s3  }
0xc: {  	[smem:$0x3FAC] =	sst s4  }
0xd: {  	[smem:$0x3FAD] =	sst s5  }
0xe: {  	[smem:$0x3FAE] =	sst s6  }
0xf: {  	[smem:$0x3FAF] =	sst s7  }
0x10: {  	[smem:$0x3FB0] =	sst s8  }
0x11: {  	[smem:$0x3FB1] =	sst s9;
	s0 =	simm.s32 @!p0 $0x0  }
0x12: {  	s1 =	sld [smem:$0x3F97];
	s0 =	simm.s32 @p0 $0x1  }
0x13: {  	[smem:$0x3FB2] =	sst s0;
	s0 =	simm.s32 @!p1 $0x0  }
0x14: {  	s2 =	sld [smem:$0x3F96];
	s0 =	simm.s32 @p1 $0x1  }
0x15: {  	[smem:$0x3FB3] =	sst s0;
	s0 =	simm.s32 @!p2 $0x0  }
0x16: {  	s3 =	sld [smem:$0x3FDB];
	s0 =	simm.s32 @p2 $0x1  }
0x17: {  	s4 =	simm.s32 $0x1BF5;
	[smem:$0x3FB5] =	sst s0  }
0x18: {  	s0 =	sld [smem:$0x3F98];
	_ =	swait.ge [sflag:s4], $0x0  }
0x19: {  	s7 =	sld [smem:$0x3F99]  }
0x1a: {  	s8 =	sadd.s32 $0xFFFFE003, lr  }
0x1b: {  	s9 =	sadd.s32 $0xFFFFFEF7, lr;
	s5 =	simm.s32 $0xFFFFFFFF;
	p2 =	slt.u32 s8, $0xFFFFF086  }
0x1c: {  	p1 =	slt.u32 s9, $0xF7A;
	s5 =	simm.s32 @!p2 $0x0  }
0x1d: {  	s5 =	simm.s32 @p1 $0x1;
	p0 =	seq.s32 s7, s2  }
0x1e: {  	s7 =	smul.u32 @!p0 $0xF7A, s2;
	p2 =	seq.s32 @!p0 s5, $0x0  }
0x1f: {  	s9 =	smul.u32 $0xF7A, s1;
	s8 =	simm.s32 @!p0 $0x1BF5;
	p2 =	por !p2, p0  }
0x20: {  	[sflag:s8] =	ssyncset.s32 @!p0 $0xFFFFF086;
	s6 =	sadd.s32 @!p0 s3, s7;
	s7 =	simm.s32 @!p0 $0x108  }
0x21: {  	s3 =	sadd.s32 s3, s9;
	s6 =	sadd.s32 @!p0 $0x88, s6;
	s7 =	simm.s32 @p2 $0x1082  }
0x22: {  	[simem:s7], [sflag:s8] =	dma.local @!p0 [hbm:s6], $0xF7A  }
0x23: {  	s9 =	sor.u32 $0xD0000000, s2;
	s6 =	simm.s32 $0x108;
	_ =	swait.ge @!p0 [sflag:s8], $0x0  }
0x24: {  	s3 =	sadd.s32 $0x88, s3;
	s6 =	simm.s32 @!p1 $0x1082;
	[sflag:s4] =	ssyncset.s32 $0xFFFFF086  }
0x25: {  	[simem:s6], [sflag:s4] =	dma.local [hbm:s3], $0xF7A  }
0x26: {  	[smem:$0x3F99] =	sst s1;
	(tag) =	ssettag s2;
	_ =	strace s9  }
0x27: {  	s1 =	sld [smem:$0x3FA9]  }
0x28: {  	s2 =	sld [smem:$0x3FAA]  }
0x29: {  	s4 =	sld [smem:$0x3FAC]  }
0x2a: {  	p0 =	seq.s32 s5, $0x0;
	s5 =	sld [smem:$0x3FAD]  }
0x2b: {  	s6 =	sld [smem:$0x3FAE]  }
0x2c: {  	s7 =	sld [smem:$0x3FAF]  }
0x2d: {  	s3 =	simm.s32 $0x108;
	s8 =	sld [smem:$0x3FB0]  }
0x2e: {  	s3 =	simm.s32 @!p0 $0x1082;
	s9 =	sld [smem:$0x3FB1]  }
0x2f: {  	lr =	sadd.s32 s0, s3;
	s0 =	sld [smem:$0x3FA8]  }
0x30: {  	s3 =	sld [smem:$0x3FAB]  }
0x31: {  	[smem:$0x3FB4] =	sst s10  }
0x32: {  	s10 =	sld [smem:$0x3FB2];
	_ =	sdelay $0x3  }
0x33: {  	p0 =	seq.s32 s10, $0x1;
	s10 =	sld [smem:$0x3FB4];
	_ =	sdelay $0x3  }
0x34: {  	[smem:$0x3FB4] =	sst s10  }
0x35: {  	s10 =	sld [smem:$0x3FB3];
	_ =	sdelay $0x3  }
0x36: {  	p1 =	seq.s32 s10, $0x1;
	s10 =	sld [smem:$0x3FB4];
	_ =	sdelay $0x3  }
0x37: {  	[smem:$0x3FB4] =	sst s10  }
0x38: {  	s10 =	sld [smem:$0x3FB5]  }
0x39: {  	_ = 	snop;
	(pc) =	sbr.ind lr, $3  }
0x3a: {  	_ = 	snop  }
0x3b: {  	_ = 	snop  }
0x3c: {  	p2 =	seq.s32 s10, $0x1;
	s10 =	sld [smem:$0x3FB4]  }
0x3d: {  	_ =	shalt  }
0x3e: {  	_ =	shalt  }
0x3f: {  	_ =	shalt  }
0x40: {  	_ =	shalt  }
0x41: {  	_ =	shalt  }
0x42: {  	_ =	shalt  }
0x43: {  	_ =	shalt  }
0x44: {  	_ =	shalt  }
0x45: {  	_ =	shalt  }
0x46: {  	_ =	shalt  }
0x47: {  	_ =	shalt  }
0x48: {  	_ =	shalt  }
0x49: {  	_ =	shalt  }
0x4a: {  	_ =	shalt  }
0x4b: {  	_ =	shalt  }
0x4c: {  	_ =	shalt  }
0x4d: {  	_ =	shalt  }
0x4e: {  	_ =	shalt  }
0x4f: {  	_ =	shalt  }
0x50: {  	_ =	shalt  }
0x51: {  	_ =	shalt  }
0x52: {  	_ =	shalt  }
0x53: {  	_ =	shalt  }
0x54: {  	_ =	shalt  }
0x55: {  	_ =	shalt  }
0x56: {  	_ =	shalt  }
0x57: {  	_ =	shalt  }
0x58: {  	_ =	shalt  }
0x59: {  	_ =	shalt  }
0x5a: {  	_ =	shalt  }
0x5b: {  	_ =	shalt  }
0x5c: {  	_ =	shalt  }
0x5d: {  	_ =	shalt  }
0x5e: {  	_ =	shalt  }
0x5f: {  	_ =	shalt  }
0x60: {  	_ =	shalt  }
0x61: {  	_ =	shalt  }
0x62: {  	_ =	shalt  }
0x63: {  	_ =	shalt  }
0x64: {  	_ =	shalt  }
0x65: {  	_ =	shalt  }
0x66: {  	_ =	shalt  }
0x67: {  	_ =	shalt  }
0x68: {  	_ =	shalt  }
0x69: {  	_ =	shalt  }
0x6a: {  	_ =	shalt  }
0x6b: {  	_ =	shalt  }
0x6c: {  	_ =	shalt  }
0x6d: {  	_ =	shalt  }
0x6e: {  	_ =	shalt  }
0x6f: {  	_ =	shalt  }
0x70: {  	_ =	shalt  }
0x71: {  	_ =	shalt  }
0x72: {  	_ =	shalt  }
0x73: {  	_ =	shalt  }
0x74: {  	_ =	shalt  }
0x75: {  	_ =	shalt  }
0x76: {  	_ =	shalt  }
0x77: {  	_ =	shalt  }
0x78: {  	_ =	shalt  }
0x79: {  	_ =	shalt  }
0x7a: {  	_ =	shalt  }
0x7b: {  	_ =	shalt  }
0x7c: {  	_ =	shalt  }
0x7d: {  	_ =	shalt  }
0x7e: {  	_ =	shalt  }
0x7f: {  	_ =	shalt  }
0x80: {  	_ =	shalt  }
0x81: {  	_ =	shalt  }
0x82: {  	_ =	shalt  }
0x83: {  	_ =	shalt  }
0x84: {  	_ =	shalt  }
0x85: {  	_ =	shalt  }
0x86: {  	_ =	shalt  }
0x87: {  	_ =	shalt  }
.Lfunc_end0:
.L_simem_size_0:
called_computation_lowered:
.L_overlay_start_0:
0x88: {  	s2 =	sld [smem:$0x3FD9]  }
0x89: {  	s3 =	sld [smem:$0x3FFE];
	_ =	sdelay $0x1  }
0x8a: {  	s1 =	srdreg.scid  }
0x8b: {  	s0 =	sand.u32 $0x1, s1  }
0x8c: {  	s14 =	sshll.u32 s0, $0xA;
	s2 =	sadd.s32 s3, s2  }
0x8d: {  	s2 =	sadd.s32 s2, s14  }
0x8e: {  	[smem:$0x3FC0] =	sst s2  }
0x8f: {  	_ = 	snop  }
0x90: {  	s2 =	sld [smem:$0x3FD0];
	_ =	sdelay $0x2  }
0x91: {  	s4 =	simm.s32 $0xA;
	s5 =	simm.s32 $0x10;
	s15 =	sld [smem:$0x3FC8]  }
0x92: {  	[smem:s5], [sflag:s4] =	dma.local [hbm:s2], $0x1  }
0x93: {  	_ =	swait.eq [sflag:s4], $0x1  }
0x94: {  	[sflag:s4] =	ssyncset.done $0x0  }
0x95: {  	s16 =	sld [smem:$0x10];
	[sflag:s4] =	ssyncadd.s32 $0xFFFFFFFF  }
0x96: {  	s17 =	sld [smem:$0x11];
	(tm) =	ssettm $0x1  }
0x97: {  	s18 =	sld [smem:$0x3FFB];
	_ =	sdelay $0x3  }
0x98: {  	_ =	strace s18  }
0x99: {  	s5 =	sld [smem:$0x3FFC];
	_ =	sdelay $0x3  }
0x9a: {  	_ =	strace s5  }
0x9b: {  	s5 =	sld [smem:$0x3FFD];
	_ =	sdelay $0x3  }
0x9c: {  	_ =	strace s5  }
0x9d: {  	_ =	strace $0x8FFFFFFF  }
0x9e: {  	s19 =	sld [smem:$0x3FDB];
	_ =	sdelay $0x1  }
0x9f: {  	s6 =	simm.s32 $_scs_section_size  }
0xa0: {  	s7 =	simm.s32 $_size__tile_overlayer_lowered;
	s8 =	simm.s32 $_tile_overlayer_lowered  }
0xa1: {  	s22 =	simm.s32 $0x1BFF;
	s21 =	sshll.u32 s8, $0x1;
	s5 =	sadd.s32 s6, s19  }
0xa2: {  	s9 =	simm.s32 $0x0;
	s20 =	sshll.u32 s7, $0x1;
	s7 =	sadd.s32 s21, s5  }
0xa3: {  	[timem:s9], [sflag:s22] =	dma.local [hbm:s7], s20  }
0xa4: {  	_ =	swait.ge [sflag:s22], s20  }
0xa5: {  	s6 =	ssub.s32 $0x0, s20;
	[sflag:s22] =	ssyncset.done $0x0  }
0xa6: {  	[sflag:s22] =	ssyncadd.s32 s6;
	_ =	sdelay $0x1  }
0xa7: {  	s23 =	simm.s32 $0x1B8B  }
0xa8: {  	_ =	swait.ge [sflag:s23], $0x1  }
0xa9: {  	[sflag:s23] =	ssyncset.done $0x0  }
0xaa: {  	s25 =	simm.s32 $0x1B8E;
	s24 =	sld [smem:$0x3FFE];
	[sflag:s23] =	ssyncadd.s32 $0xFFFFFFFF  }
0xab: {  	s26 =	simm.s32 $execute0_lowered;
	[smem:$0x3FD2] =	sst s25  }
0xac: {  	s7 =	sshll.u32 s26, $0x1;
	_ =	strace $0x80000046;
	[dreg:$0x1] =	wrdreg $0xFFFFFFFF  }
0xad: {  	s28 =	simm.s32 $_size_execute0_lowered;
	s5 =	sadd.s32 s5, s7;
	[dreg:$0x0] =	wrdreg $0x0  }
0xae: {  	s7 =	sshll.u32 s28, $0x1;
	[dreg:$0x2] =	wrdreg s5  }
0xaf: {  	[dreg:$0x3] =	wrdreg s7  }
0xb0: {  	[dreg:$0x4] =	wrdreg $0xC0  }
0xb1: {  	_ =	task [dreg:s9], $0x5FFFF  }
0xb2: {  	[dreg:$0x1] =	wrdreg $0xFFFFFFFF  }
0xb3: {  	[dreg:$0x0] =	wrdreg $0x60  }
0xb4: {  	[dreg:$0x2] =	wrdreg s16  }
0xb5: {  	[dreg:$0x3] =	wrdreg s17  }
0xb6: {  	[dreg:$0x4] =	wrdreg s15  }
0xb7: {  	[dreg:$0x5] =	wrdreg s24  }
0xb8: {  	[dreg:$0x6] =	wrdreg $0xB7800  }
0xb9: {  	[dreg:$0x7] =	wrdreg $0x9  }
0xba: {  	_ =	task.clear_ibuf [dreg:s9], $0x8FFFF;
	_ =	strace $0x90000046  }
0xbb: {  	s29 =	simm.s32 $0x9;
	_ =	strace $0x80000048  }
0xbc: {  	_ =	swait.ge [sflag:s29], $0x1  }
0xbd: {  	[sflag:s29] =	ssyncadd.s32 $0xFFFFFFFF  }
0xbe: {  	_ =	strace $0x90000048  }
0xbf: {  	_ =	sfence  }
0xc0: {  	s30 =	sld [smem:$0x0];
	_ =	sdelay $0x2  }
0xc1: {  	s31 =	sshll.u32 s1, $0xD;
	s1 =	sshrl.u32 s1, $0x2  }
0xc2: {  	s3 =	sand.u32 $0x4000, s31;
	s1 =	sadd.s32 s1, s30  }
0xc3: {  	s0 =	sor.u32 s3, s0;
	s1 =	sshll.u32 s1, $0x11  }
0xc4: {  	s0 =	sor.u32 s1, s0  }
0xc5: {  	s0 =	sadd.s32 $0x8F2B, s0  }
0xc6: {  	[sflag:s0] =	ssyncadd.remote.s32 $0x1  }
0xc7: {  	_ =	sfence.sel $0xFFFF  }
0xc8: {  	[dreg:$0x0] =	wrdreg $0xFFFFFFFF;
	(pc) =	sbr.abs _section_cstart, $3  }
0xc9: {  	[dreg:$0x1] =	wrdreg $0xFFFFFFFF  }
0xca: {  	_ =	task.clear_ibuf [dreg:s9], $0x2FFFF;
	_ =	strace $0x9FFFFFFF  }
0xcb: {  	(tm) =	ssettm $0x7FFFFFFF  }
tec
execute0_lowered:
.L_overlay_start_1:
0x0: {  	(tag) =	ssettag $0x1  }
0x1: {  	s6 =	rddreg [dreg:$0x0]  }
0x2: {  	s7 =	rddreg [dreg:$0x1]  }
0x3: {  	s0 =	rddreg [dreg:$0x2]  }
0x4: {  	s8 =	rddreg [dreg:$0x3];
	s1 =	srdreg.scid  }
0x5: {  	s3 =	rddreg [dreg:$0x4];
	s2 =	stileid.u32;
	s4 =	simm.s32 $0x0  }
0x6: {  	s14 =	simm.s32 $0x8F80;
	s17 =	simm.s32 $0x1;
	s18 =	simm.s32 $0x2  }
0x7: {  	s19 =	simm.s32 $0x6380;
	s20 =	simm.s32 $0x2620;
	s21 =	simm.s32 $0x6400  }
0x8: {  	s22 =	simm.s32 $0x2670;
	s23 =	simm.s32 $0x6480;
	s24 =	simm.s32 $0x6500  }
0x9: {  	s25 =	simm.s32 $0x26C0;
	s26 =	simm.s32 $0x6580;
	s28 =	simm.s32 $0x0  }
0xa: {  	s9 =	sand.u32 $0x1, s1;
	s10 =	smul.u32 $0x14000, s2;
	[smem:$0x7FF] =	sst s4  }
0xb: {  	s11 =	sshll.u32 s2, $0x1;
	s30 =	smul.u32 $0x50000, s2;
	s15 =	sshll.u32 s2, $0x6  }
0xc: {  	s5 =	smul.u32 $0x140000, s9;
	_ =	strace $0x80000047;
	s12 =	ssub.s32 $0x2, s9  }
0xd: {  	s9 =	sor.u32 s9, s11;
	s15 =	sor.u32 $0x1C03, s15;
	s31 =	sshrl.u32 s12, $0x1  }
0xe: {  	s13 =	smul.u32 $0x4E2, s9;
	s9 =	sshll.u32 s9, $0xB;
	s11 =	sshrl.u32 s30, $0x2  }
0xf: {  	s10 =	sadd.s32 s10, s5;
	s5 =	sadd.s32 $0x1600, s8;
	s7 =	sadd.s32 s7, s9  }
0x10: {  	s16 =	sadd.s32 s11, s3;
	s11 =	simm.s32 $0x2780;
	s10 =	sshrl.u32 s10, $0x3  }
0x11: {  	s6 =	sadd.s32 s6, s13;
	s13 =	simm.s32 $0x6780;
	s16 =	sshrl.u32 s16, $0x3  }
0x12: {  	s8 =	sadd.s32 s10, s8;
	s10 =	ssub.s32 s12, s31;
	s12 =	simm.s32 $0x50  }
0x13: {  	s8 =	sadd.s32 $0x3E00, s8;
	s9 =	smax.u32 s10, $0x1;
	s10 =	simm.s32 $0x3  }
.LBB2_1:
0x14: {  	[tilespmem:s4], [sflag:$0x3] =	stream.linear.gather [hbm4b:s6+s4], $0x2710, $0x38;
	[tilespmem:$0x1F780] =	vst v63  }
0x15: {  	_ =	swait.ge [sflag:s10], $0x2710  }
0x16: {  	[sflag:s10] =	ssyncset.done $0x0  }
0x17: {  	[sflag:s10] =	ssyncadd.s32 $0xFFFFD8F0  }
0x18: {  	[tilespmem:s11], [sflag:$0x3] =	stream.linear.gather [hbm4b:s7+s4], $0x3E80, $0x38;
	[tilespmem:$0x1F780] =	vst v63  }
0x19: {  	_ =	swait.ge [sflag:s10], $0x3E80  }
0x1a: {  	[sflag:s10] =	ssyncset.done $0x0  }
0x1b: {  	[sflag:s10] =	ssyncadd.s32 $0xFFFFC180  }
0x1c: {  	[tilespmem:s13], [sflag:$0x1] =	stream.indirect.gather [hbm4b:s0+s12], $0x80, s4, s12, $0xb8;
	[tilespmem:$0x1F780] =	vst v63  }
0x1d: {  	_ = 	snop  }
0x1e: {  	[tilespmem:s14], [sflag:$0x2] =	stream.indirect.gather [hbm4b:s0+s12], $0x80, s12, s12, $0xb8;
	[tilespmem:$0x1F780] =	vst v63  }
0x1f: {  	[spmem:s16], [sflag:s15] =	dma.local [hbm:s5], $0x2800  }
0x20: {  	_ =	swait.ge [sflag:s10], $0x2800  }
0x21: {  	[sflag:s10] =	ssyncset.done $0x0  }
0x22: {  	[sflag:s10] =	ssyncadd.s32 $0xFFFFD800  }
0x23: {  	[bflag:$0x0] =	sbarrier.arrive $0xFFFF  }
0x24: {  	_ =	swait.ge [sflag:s17], $0x2800  }
0x25: {  	[sflag:s17] =	ssyncset.done $0x0  }
0x26: {  	s29 =	simm.s32 $0x2780;
	[sflag:s17] =	ssyncadd.s32 $0xFFFFD800  }
0x27: {  	[spmem:s3] =	stream.indirect.scatter.add.f32 [tilespmem:s13], [sflag:$0x3], $0x80, s29, s12, $0xb8;
	[tilespmem:$0x1F780] =	vst v63  }
0x28: {  	_ =	swait.ge [sflag:s10], $0x2800  }
0x29: {  	[sflag:s10] =	ssyncset.done $0x0  }
0x2a: {  	s29 =	simm.s32 $0xA0;
	[sflag:s10] =	ssyncadd.s32 $0xFFFFD800  }
0x2b: {  	[tilespmem:s13], [sflag:$0x1] =	stream.indirect.gather [hbm4b:s0+s12], $0x80, s29, s12, $0xb8;
	[tilespmem:$0x1F780] =	vst v63  }
0x2c: {  	_ =	swait.ge [sflag:s18], $0x2800  }
0x2d: {  	[sflag:s18] =	ssyncset.done $0x0  }
0x2e: {  	s29 =	simm.s32 $0x2800;
	[sflag:s18] =	ssyncadd.s32 $0xFFFFD800  }
0x2f: {  	[spmem:s3] =	stream.indirect.scatter.add.f32 [tilespmem:s14], [sflag:$0x3], $0x80, s29, s12, $0xb8;
	[tilespmem:$0x1F780] =	vst v63  }
0x30: {  	_ =	swait.ge [sflag:s10], $0x2800  }
0x31: {  	[sflag:s10] =	ssyncset.done $0x0  }
0x32: {  	s29 =	simm.s32 $0xF0;
	[sflag:s10] =	ssyncadd.s32 $0xFFFFD800  }
0x33: {  	[tilespmem:s14], [sflag:$0x2] =	stream.indirect.gather [hbm4b:s0+s12], $0x80, s29, s12, $0xb8;
	[tilespmem:$0x1F780] =	vst v63  }
0x34: {  	_ =	swait.ge [sflag:s17], $0x2800  }
0x35: {  	[sflag:s17] =	ssyncset.done $0x0  }
0x36: {  	s29 =	simm.s32 $0x2880;
	[sflag:s17] =	ssyncadd.s32 $0xFFFFD800  }
0x37: {  	[spmem:s3] =	stream.indirect.scatter.add.f32 [tilespmem:s13], [sflag:$0x3], $0x80, s29, s12, $0xb8;
	[tilespmem:$0x1F780] =	vst v63  }
0x38: {  	_ =	swait.ge [sflag:s10], $0x2800  }
0x39: {  	[sflag:s10] =	ssyncset.done $0x0  }
0x3a: {  	s29 =	simm.s32 $0x140;
	[sflag:s10] =	ssyncadd.s32 $0xFFFFD800  }
0x3b: {  	[tilespmem:s13], [sflag:$0x1] =	stream.indirect.gather [hbm4b:s0+s12], $0x80, s29, s12, $0xb8;
	[tilespmem:$0x1F780] =	vst v63  }
0x3c: {  	_ =	swait.ge [sflag:s18], $0x2800  }
0x3d: {  	[sflag:s18] =	ssyncset.done $0x0  }
0x3e: {  	s29 =	simm.s32 $0x2900;
	[sflag:s18] =	ssyncadd.s32 $0xFFFFD800  }
0x3f: {  	[spmem:s3] =	stream.indirect.scatter.add.f32 [tilespmem:s14], [sflag:$0x3], $0x80, s29, s12, $0xb8;
	[tilespmem:$0x1F780] =	vst v63  }
0x40: {  	_ =	swait.ge [sflag:s10], $0x2800  }
0x41: {  	s31 =	simm.s32 $0x190;
	[sflag:s10] =	ssyncset.done $0x0  }
0x42: {  	s30 =	simm.s32 $0x2B00;
	s29 =	simm.s32 $0x500;
	[sflag:s10] =	ssyncadd.s32 $0xFFFFD800  }
.LBB2_2:
0x43: {  	[tilespmem:s14], [sflag:$0x2] =	stream.indirect.gather [hbm4b:s0+s12], $0x80, s31, s12, $0xb8;
	[tilespmem:$0x1F780] =	vst v63  }
0x44: {  	s31 =	smov.u32 s29  }
0x45: {  	p0 =	sne.s32 s29, $0x9100;
	s29 =	sadd.s32 $0x500, s29;
	_ =	swait.ge [sflag:s17], $0x2800  }
0x46: {  	[sflag:s17] =	ssyncset.done $0x0  }
0x47: {  	s1 =	sadd.s32 $0xFFFFFE80, s30;
	[sflag:s17] =	ssyncadd.s32 $0xFFFFD800  }
0x48: {  	[spmem:s3] =	stream.indirect.scatter.add.f32 [tilespmem:s13], [sflag:$0x3], $0x80, s1, s12, $0xb8;
	[tilespmem:$0x1F780] =	vst v63  }
0x49: {  	_ =	swait.ge [sflag:s10], $0x2800  }
0x4a: {  	s1 =	sshra.s32 s31, $0x2;
	[sflag:s10] =	ssyncset.done $0x0  }
0x4b: {  	s31 =	sadd.s32 $0xA0, s1;
	[sflag:s10] =	ssyncadd.s32 $0xFFFFD800  }
0x4c: {  	[tilespmem:s13], [sflag:$0x1] =	stream.indirect.gather [hbm4b:s0+s12], $0x80, s31, s12, $0xb8;
	[tilespmem:$0x1F780] =	vst v63  }
0x4d: {  	_ =	swait.ge [sflag:s18], $0x2800  }
0x4e: {  	[sflag:s18] =	ssyncset.done $0x0  }
0x4f: {  	s31 =	sadd.s32 $0xFFFFFF00, s30;
	[sflag:s18] =	ssyncadd.s32 $0xFFFFD800  }
0x50: {  	[spmem:s3] =	stream.indirect.scatter.add.f32 [tilespmem:s14], [sflag:$0x3], $0x80, s31, s12, $0xb8;
	[tilespmem:$0x1F780] =	vst v63  }
0x51: {  	_ =	swait.ge [sflag:s10], $0x2800  }
0x52: {  	[sflag:s10] =	ssyncset.done $0x0  }
0x53: {  	s31 =	sadd.s32 $0xF0, s1;
	[sflag:s10] =	ssyncadd.s32 $0xFFFFD800  }
0x54: {  	[tilespmem:s14], [sflag:$0x2] =	stream.indirect.gather [hbm4b:s0+s12], $0x80, s31, s12, $0xb8;
	[tilespmem:$0x1F780] =	vst v63  }
0x55: {  	_ =	swait.ge [sflag:s17], $0x2800  }
0x56: {  	[sflag:s17] =	ssyncset.done $0x0  }
0x57: {  	s31 =	sadd.s32 $0xFFFFFF80, s30;
	[sflag:s17] =	ssyncadd.s32 $0xFFFFD800  }
0x58: {  	[spmem:s3] =	stream.indirect.scatter.add.f32 [tilespmem:s13], [sflag:$0x3], $0x80, s31, s12, $0xb8;
	[tilespmem:$0x1F780] =	vst v63  }
0x59: {  	_ =	swait.ge [sflag:s10], $0x2800  }
0x5a: {  	[sflag:s10] =	ssyncset.done $0x0  }
0x5b: {  	s31 =	sadd.s32 $0x140, s1;
	[sflag:s10] =	ssyncadd.s32 $0xFFFFD800  }
0x5c: {  	[tilespmem:s13], [sflag:$0x1] =	stream.indirect.gather [hbm4b:s0+s12], $0x80, s31, s12, $0xb8;
	[tilespmem:$0x1F780] =	vst v63  }
0x5d: {  	_ =	swait.ge [sflag:s18], $0x2800  }
0x5e: {  	[sflag:s18] =	ssyncset.done $0x0  }
.Ltmp0:
0x5f: {  	[sflag:s18] =	ssyncadd.s32 $0xFFFFD800;
	(pc) =	sbr.rel @p0 .LBB2_2-.Ltmp0, $4  }
0x60: {  	[spmem:s3] =	stream.indirect.scatter.add.f32 [tilespmem:s14], [sflag:$0x3], $0x80, s30, s12, $0xb8;
	[tilespmem:$0x1F780] =	vst v63  }
0x61: {  	_ =	swait.ge [sflag:s10], $0x2800  }
0x62: {  	[sflag:s10] =	ssyncset.done $0x0  }
0x63: {  	s31 =	sadd.s32 $0x190, s1;
	s30 =	sadd.s32 $0x200, s30;
	[sflag:s10] =	ssyncadd.s32 $0xFFFFD800  }
0x64: {  	[tilespmem:s14], [sflag:$0x2] =	stream.indirect.gather [hbm4b:s0+s12], $0x80, s31, s12, $0xb8;
	[tilespmem:$0x1F780] =	vst v63  }
0x65: {  	_ =	swait.ge [sflag:s17], $0x2800  }
0x66: {  	[sflag:s17] =	ssyncset.done $0x0  }
0x67: {  	[sflag:s17] =	ssyncadd.s32 $0xFFFFD800  }
0x68: {  	[spmem:s3] =	stream.indirect.scatter.add.f32 [tilespmem:s13], [sflag:$0x3], $0x80, s19, s12, $0xb8;
	[tilespmem:$0x1F780] =	vst v63  }
0x69: {  	_ =	swait.ge [sflag:s10], $0x2800  }
0x6a: {  	[sflag:s10] =	ssyncset.done $0x0  }
0x6b: {  	[sflag:s10] =	ssyncadd.s32 $0xFFFFD800  }
0x6c: {  	[tilespmem:s13], [sflag:$0x1] =	stream.indirect.gather [hbm4b:s0+s12], $0x80, s20, s12, $0xb8;
	[tilespmem:$0x1F780] =	vst v63  }
0x6d: {  	_ =	swait.ge [sflag:s18], $0x2800  }
0x6e: {  	[sflag:s18] =	ssyncset.done $0x0  }
0x6f: {  	[sflag:s18] =	ssyncadd.s32 $0xFFFFD800  }
0x70: {  	[spmem:s3] =	stream.indirect.scatter.add.f32 [tilespmem:s14], [sflag:$0x3], $0x80, s21, s12, $0xb8;
	[tilespmem:$0x1F780] =	vst v63  }
0x71: {  	_ =	swait.ge [sflag:s10], $0x2800  }
0x72: {  	[sflag:s10] =	ssyncset.done $0x0  }
0x73: {  	[sflag:s10] =	ssyncadd.s32 $0xFFFFD800  }
0x74: {  	[tilespmem:s14], [sflag:$0x2] =	stream.indirect.gather [hbm4b:s0+s12], $0x80, s22, s12, $0xb8;
	[tilespmem:$0x1F780] =	vst v63  }
0x75: {  	_ =	swait.ge [sflag:s17], $0x2800  }
0x76: {  	[sflag:s17] =	ssyncset.done $0x0  }
0x77: {  	[sflag:s17] =	ssyncadd.s32 $0xFFFFD800  }
0x78: {  	[spmem:s3] =	stream.indirect.scatter.add.f32 [tilespmem:s13], [sflag:$0x3], $0x80, s23, s12, $0xb8;
	[tilespmem:$0x1F780] =	vst v63  }
0x79: {  	_ =	swait.ge [sflag:s10], $0x2800  }
0x7a: {  	[sflag:s10] =	ssyncset.done $0x0  }
0x7b: {  	[sflag:s10] =	ssyncadd.s32 $0xFFFFD800  }
0x7c: {  	_ =	swait.ge [sflag:s18], $0x2800  }
0x7d: {  	[sflag:s18] =	ssyncset.done $0x0  }
0x7e: {  	[sflag:s18] =	ssyncadd.s32 $0xFFFFD800  }
0x7f: {  	[spmem:s3] =	stream.indirect.scatter.add.f32 [tilespmem:s14], [sflag:$0x3], $0x80, s24, s12, $0xb8;
	[tilespmem:$0x1F780] =	vst v63  }
0x80: {  	_ =	swait.ge [sflag:s10], $0x2800  }
0x81: {  	[sflag:s10] =	ssyncset.done $0x0  }
0x82: {  	[sflag:s10] =	ssyncadd.s32 $0xFFFFD800  }
0x83: {  	[tilespmem:s13], [sflag:$0x1] =	stream.indirect.gather [hbm4b:s0+s12], $0x80, s25, s12, $0xb8;
	[tilespmem:$0x1F780] =	vst v63  }
0x84: {  	_ =	swait.ge [sflag:s17], $0x2800  }
0x85: {  	[sflag:s17] =	ssyncset.done $0x0  }
0x86: {  	[sflag:s17] =	ssyncadd.s32 $0xFFFFD800  }
0x87: {  	[spmem:s3] =	stream.indirect.scatter.add.f32 [tilespmem:s13], [sflag:$0x3], $0x80, s26, s12, $0xb8;
	[tilespmem:$0x1F780] =	vst v63  }
0x88: {  	_ =	swait.ge [sflag:s10], $0x2800  }
0x89: {  	s28 =	sadd.s32 $0x1, s28;
	[sflag:s10] =	ssyncset.done $0x0  }
0x8a: {  	p0 =	sne.s32 s28, s9;
	[sflag:s10] =	ssyncadd.s32 $0xFFFFD800  }
.Ltmp1:
0x8b: {  	[bflag:$0x0] =	sbarrier.arrive $0xFFFF;
	(pc) =	sbr.rel @p0 .LBB2_1-.Ltmp1, $4  }
0x8c: {  	[hbm:s8], [sflag:s15] =	dma.local [spmem:s16], $0x2800  }
0x8d: {  	_ =	swait.ge [sflag:s10], $0x2800  }
0x8e: {  	[sflag:s10] =	ssyncset.done $0x0  }
0x8f: {  	[sflag:s10] =	ssyncadd.s32 $0xFFFFD800  }
0x90: {  	_ =	sfence.sel $0x180000  }
0x91: {  	[bflag:$0x0] =	sbarrier.arrive $0xFFFF  }
0x92: {  	_ =	strace $0x90000047  }
0x93: {  	[bflag:$0x2] =	sbarrier.arrive $0xFFFF  }
0x94: {  	p0 =	sne.s32 s2, $0x0;
	s0 =	rddreg [dreg:$0x5]  }
0x95: {  	s0 =	sadd.s32 @!p0 $0x100000, s0  }
0x96: {  	[sflag:s0] =	ssyncadd.tile.s32 @!p0 $0x1;
	_ =	shalt  }
.Lfunc_end2:
_tile_overlayer_lowered:
.L_overlay_start_2:
0x97: {  	(tag) =	ssettag $0x2  }
0x98: {  	s0 =	rddreg [dreg:$0x0];
	s2 =	stileid.u32  }
0x99: {  	s1 =	rddreg [dreg:$0x1];
	p0 =	sne.s32 s2, $0x0  }
0x9a: {  	s3 =	rddreg [dreg:$0x2];
	[bflag:$0x3] =	sbarrier.arrive $0xFFFF;
	s2 =	simm.s32 @!p0 $0x1C03  }
0x9b: {  	[timem:s3], [sflag:s2] =	dma.local @!p0 [hbm:s0], s1  }
0x9c: {  	s0 =	simm.s32 @!p0 $0x3  }
0x9d: {  	_ =	swait.ge @!p0 [sflag:s0], s1  }
0x9e: {  	s1 =	ssub.s32 @!p0 $0x0, s1;
	[sflag:s0] =	ssyncset.done @!p0 $0x0  }
0x9f: {  	[sflag:s0] =	ssyncadd.s32 @!p0 s1  }
0xa0: {  	[bflag:$0x3] =	sbarrier.arrive $0xFFFF  }
0xa1: {  	_ =	shalt  }

</sc_bundles>
